<compile_context>
chip_gen: v7x
topology: tpu7x:2x2x1
jax: 0.10.2.dev20260603
libtpu: 0.0.44.dev20260713+nightly
codegen_flags: <defaults>
</compile_context>

<pallas_src>
import functools

import jax
import jax.numpy as jnp
from jax import lax
from jax.experimental import pallas as pl
from jax.experimental.pallas import tpu as pltpu
from jax.experimental.pallas import tpu_sc as plsc

V = 1000
N_TOKENS = 16
HID = 256
B, S, L = 8, 4, 256
NW = 32
TPW = (B * S * L) // NW
ROWS_PER_SLAB = N_TOKENS + L
CHUNK = 32
MAIN_W = 896
TAIL_BLK = 7


def _learned_prompt(u, v, shared_prompt, mlp_w, mlp_b):

    def body(u_ref, v_ref, sp_ref, w_ref, b_ref, out_ref):
        learned = (u_ref[...] * v_ref[...]) * sp_ref[...]
        out_ref[...] = (
            jnp.dot(learned, w_ref[...], preferred_element_type=jnp.float32)
            + b_ref[...][None, :]
        )

    return pl.pallas_call(
        body,
        out_shape=jax.ShapeDtypeStruct((N_TOKENS, V), jnp.float32),
    )(u, v, shared_prompt, mlp_w, mlp_b)


def _sc_main(tokens_flat, wte_main, wte_tail, learned):
    mesh = plsc.VectorSubcoreMesh(core_axis_name="c", subcore_axis_name="s")
    n_chunks = TPW // CHUNK

    @functools.partial(
        pl.kernel,
        out_type=(
            jax.ShapeDtypeStruct((B * S * ROWS_PER_SLAB, V), jnp.float32),
            jax.ShapeDtypeStruct((B * S * L, 128), jnp.float32),
        ),
        mesh=mesh,
        scratch_types=[
            pltpu.VMEM((n_chunks, CHUNK), jnp.int32),
            pltpu.VMEM((CHUNK, MAIN_W), jnp.float32),
            pltpu.VMEM((CHUNK, MAIN_W), jnp.float32),
            pltpu.VMEM((CHUNK, MAIN_W), jnp.float32),
            pltpu.VMEM((CHUNK, 128), jnp.float32),
            pltpu.VMEM((CHUNK, 128), jnp.float32),
            pltpu.VMEM((CHUNK, 128), jnp.float32),
            pltpu.VMEM((N_TOKENS, V), jnp.float32),
            pltpu.SemaphoreType.DMA,
            pltpu.SemaphoreType.DMA,
            pltpu.SemaphoreType.DMA,
            pltpu.SemaphoreType.DMA,
            pltpu.SemaphoreType.DMA,
            pltpu.SemaphoreType.DMA,
        ],
    )
    def k(tok_hbm, wmain_hbm, wtail_hbm, learned_hbm, out_hbm, tail_hbm,
          idx_v, m0, m1, m2, t0, t1, t2, learned_v,
          gs0, gs1, gs2, ss0, ss1, ss2):
        wid = lax.axis_index("s") * 2 + lax.axis_index("c")
        out_base = wid * ROWS_PER_SLAB
        tail_base = wid * TPW

        pltpu.sync_copy(tok_hbm.at[wid], idx_v)

        mbufs = (m0, m1, m2)
        tbufs = (t0, t1, t2)
        gsems = (gs0, gs1, gs2)
        ssems = (ss0, ss1, ss2)

        def gather(c):
            return (
                pltpu.async_copy(wmain_hbm.at[idx_v.at[c]], mbufs[c % 3],
                                 gsems[c % 3]),
                pltpu.async_copy(wtail_hbm.at[idx_v.at[c]], tbufs[c % 3],
                                 gsems[c % 3]),
            )

        def scatter(c):
            return (
                pltpu.async_copy(
                    mbufs[c % 3],
                    out_hbm.at[pl.ds(out_base + N_TOKENS + c * CHUNK, CHUNK),
                               pl.ds(0, MAIN_W)],
                    ssems[c % 3],
                ),
                pltpu.async_copy(
                    tbufs[c % 3],
                    tail_hbm.at[pl.ds(tail_base + c * CHUNK, CHUNK)],
                    ssems[c % 3],
                ),
            )

        gathers = {0: gather(0), 1: gather(1)}

        pltpu.sync_copy(learned_hbm, learned_v)
        pltpu.sync_copy(learned_v, out_hbm.at[pl.ds(out_base, N_TOKENS)])

        scatters = {}
        for c in range(n_chunks):
            for h in gathers[c]:
                h.wait()
            scatters[c] = scatter(c)
            nxt = c + 2
            if nxt < n_chunks:
                if nxt - 3 >= 0:
                    for h in scatters[nxt - 3]:
                        h.wait()
                gathers[nxt] = gather(nxt)
        for c in range(max(0, n_chunks - 3), n_chunks):
            for h in scatters[c]:
                h.wait()

    return k(tokens_flat, wte_main, wte_tail, learned)


def _tc_tail(out, tail, learned):

    SLABS = 8

    def body(_, tail_ref, learned_ref, out_ref):
        for s in range(SLABS):
            out_ref[s * ROWS_PER_SLAB:s * ROWS_PER_SLAB + N_TOKENS, :] = (
                learned_ref[...]
            )
            out_ref[s * ROWS_PER_SLAB + N_TOKENS:(s + 1) * ROWS_PER_SLAB,
                    :] = tail_ref[s * L:(s + 1) * L, :]

    grid_spec = pltpu.PrefetchScalarGridSpec(
        num_scalar_prefetch=0,
        grid=(NW // SLABS,),
        in_specs=[
            pl.BlockSpec(memory_space=pl.ANY),
            pl.BlockSpec((SLABS * L, 128), lambda i: (i, 0)),
            pl.BlockSpec((N_TOKENS, 128), lambda i: (0, TAIL_BLK)),
        ],
        out_specs=pl.BlockSpec((SLABS * ROWS_PER_SLAB, 128),
                               lambda i: (i, TAIL_BLK)),
    )
    return pl.pallas_call(
        body,
        grid_spec=grid_spec,
        out_shape=jax.ShapeDtypeStruct((B * S * ROWS_PER_SLAB, V),
                                       jnp.float32),
        input_output_aliases={0: 0},
    )(out, tail, learned)


def kernel(tokens, wte, mlp_w, mlp_b, shared_prompt, u, v):
    learned = _learned_prompt(u, v, shared_prompt, mlp_w, mlp_b)
    tokens_flat = tokens.reshape(NW, TPW // CHUNK, CHUNK).astype(jnp.int32)
    wte_main = wte[:, :MAIN_W]
    wte_tail = jnp.pad(wte[:, MAIN_W:], ((0, 0), (0, 128 - (V - MAIN_W))))
    out, tail = _sc_main(tokens_flat, wte_main, wte_tail, learned)
    out = _tc_tail(out, tail, learned)
    return out.reshape(B, S, ROWS_PER_SLAB, V)

# --- scband reference (transcript-rebuilt; emitter-appended) ---
"""Pipeline reference for scband-mpt-19920058319334 (READ-ONLY COPY).

The authoritative reference and input builder live on the scoring server;
editing this copy changes nothing except your own understanding.
"""

import jax, jax.numpy as jnp
import numpy as np

V = 1000          # vocab size; embedding_dim must equal V (see module code)
N_TOKENS = 16
HID = 256
B, S, L = 8, 4, 256


def setup_inputs(seed: int = 0) -> dict:
    key = jax.random.key(seed)
    k0, k1, k2, k3, k4, k5, k6 = jax.random.split(key, 7)
    tokens = jax.random.randint(k0, (B, S, L), 0, V, dtype=jnp.int64 if jax.config.jax_enable_x64 else jnp.int32)
    wte = jax.random.normal(k1, (V, V), dtype=jnp.float32) * 0.02
    # nn.Linear(HID, V): weight [V, HID], bias [V]; store transposed for x @ W
    mlp_w = jax.random.normal(k2, (HID, V), dtype=jnp.float32) * (1.0 / np.sqrt(HID))
    mlp_b = jnp.zeros((V,), dtype=jnp.float32)
    shared_prompt = jax.random.uniform(k3, (N_TOKENS, HID), minval=-0.5, maxval=0.5, dtype=jnp.float32)
    u = jax.random.uniform(k4, (N_TOKENS, 1), minval=-0.5, maxval=0.5, dtype=jnp.float32)
    v = jax.random.uniform(k5, (1, HID), minval=-0.5, maxval=0.5, dtype=jnp.float32)
    return {"tokens": tokens, "wte": wte, "mlp_w": mlp_w, "mlp_b": mlp_b,
            "shared_prompt": shared_prompt, "u": u, "v": v}


def reference(tokens, wte, mlp_w, mlp_b, shared_prompt, u, v):
    # input_embedding = self.wte(tokens) -> gather rows of the table
    input_embedding = jnp.take(wte, tokens, axis=0)                 # [B, S, L, V]
    # learned_embedding = mlp((u @ v) * shared_prompt)
    learned = jnp.matmul(u, v) * shared_prompt                       # [N_TOKENS, HID]
    learned = jnp.matmul(learned, mlp_w) + mlp_b                     # [N_TOKENS, V]
    # .repeat(B, S, 1, 1)
    b, s = input_embedding.shape[0], input_embedding.shape[1]
    learned = jnp.broadcast_to(learned[None, None, :, :], (b, s, N_TOKENS, V))
    return jnp.concatenate([learned, input_embedding], axis=2)      # [B, S, N_TOKENS+L, V]

if __name__ == "__main__":
    import jax
    _d = setup_inputs()
    print(jax.jit(kernel)(*tuple(_d.values())))

</pallas_src>

<mosaic_0001>
#map = affine_map<(d0, d1) -> (0, 0, 0)>
#map1 = affine_map<(d0, d1) -> (0, 0)>
module attributes {stable_mosaic.version = 14 : i64} {
  func.func @k(%arg0: i32, %arg1: i32, %arg2: memref<32x8x32xi32, #tpu.memory_space<hbm>>, %arg3: memref<1000x896xf32, #tpu.memory_space<hbm>>, %arg4: memref<1000x128xf32, #tpu.memory_space<hbm>>, %arg5: memref<16x1000xf32, #tpu.memory_space<hbm>>, %arg6: memref<8704x1000xf32, #tpu.memory_space<hbm>>, %arg7: memref<8192x128xf32, #tpu.memory_space<hbm>>, %arg8: memref<8x32xi32, #tpu.memory_space<vmem>>, %arg9: memref<32x896xf32, #tpu.memory_space<vmem>>, %arg10: memref<32x896xf32, #tpu.memory_space<vmem>>, %arg11: memref<32x896xf32, #tpu.memory_space<vmem>>, %arg12: memref<32x128xf32, #tpu.memory_space<vmem>>, %arg13: memref<32x128xf32, #tpu.memory_space<vmem>>, %arg14: memref<32x128xf32, #tpu.memory_space<vmem>>, %arg15: memref<16x1000xf32, #tpu.memory_space<vmem>>, %arg16: memref<!tpu.dma_semaphore, #tpu.memory_space<semaphore_mem>>, %arg17: memref<!tpu.dma_semaphore, #tpu.memory_space<semaphore_mem>>, %arg18: memref<!tpu.dma_semaphore, #tpu.memory_space<semaphore_mem>>, %arg19: memref<!tpu.dma_semaphore, #tpu.memory_space<semaphore_mem>>, %arg20: memref<!tpu.dma_semaphore, #tpu.memory_space<semaphore_mem>>, %arg21: memref<!tpu.dma_semaphore, #tpu.memory_space<semaphore_mem>>) attributes {dimension_semantics = [#tpu.dimension_semantics<core_parallel>, #tpu.dimension_semantics<subcore_parallel>], iteration_bounds = array<i64: 2, 16>, scalar_prefetch = 0 : i64, scratch_operands = 14 : i64, tpu.core_type = #tpu.core_type<sc_vector_subcore>, window_params = [{transform_indices = #map}, {transform_indices = #map1}, {transform_indices = #map1}, {transform_indices = #map1}, {transform_indices = #map1}, {transform_indices = #map1}]} {
    %mul3A = arith.constant 2 : i32
    %mul3A_0 = arith.muli %arg1, %mul3A : i32
    %add3A = arith.addi %mul3A_0, %arg0 : i32
    %mul3A_1 = arith.constant 272 : i32
    %mul3A_2 = arith.muli %add3A, %mul3A_1 : i32
    %mul3A_3 = arith.constant 256 : i32
    %mul3A_4 = arith.muli %add3A, %mul3A_3 : i32
    "tpu.region"() ({
      %run_scoped3A = tpu.sem_alloc : memref<!tpu.dma_semaphore, #tpu.memory_space<semaphore_mem>>
      %dma_start3A_403 = arith.constant 0 : i32
      %dma_start3A_404 = arith.constant 0 : i32
      %dma_start3A_405 = tpu.memref_slice %arg2[%add3A, %dma_start3A_403, %dma_start3A_404] : memref<32x8x32xi32, #tpu.memory_space<hbm>> -> memref<1x8x32xi32, #tpu.memory_space<hbm>>
      %dma_start3A_406 = tpu.memref_squeeze %dma_start3A_405 : memref<1x8x32xi32, #tpu.memory_space<hbm>> -> memref<8x32xi32, #tpu.memory_space<hbm>>
      %dma_start3A_407 = arith.constant 0 : i32
      %dma_start3A_408 = arith.constant 0 : i32
      %dma_start3A_409 = tpu.memref_slice %arg2[%add3A, %dma_start3A_407, %dma_start3A_408] : memref<32x8x32xi32, #tpu.memory_space<hbm>> -> memref<1x8x32xi32, #tpu.memory_space<hbm>>
      %dma_start3A_410 = tpu.memref_squeeze %dma_start3A_409 : memref<1x8x32xi32, #tpu.memory_space<hbm>> -> memref<8x32xi32, #tpu.memory_space<hbm>>
      tpu.enqueue_dma source(%dma_start3A_410 : memref<8x32xi32, #tpu.memory_space<hbm>>) target(%arg8 : memref<8x32xi32, #tpu.memory_space<vmem>>) target_semaphore(%run_scoped3A : memref<!tpu.dma_semaphore, #tpu.memory_space<semaphore_mem>>)
      %dma_wait3A_411 = arith.constant 0 : i32
      %dma_wait3A_412 = arith.constant 0 : i32
      %dma_wait3A_413 = tpu.memref_slice %arg2[%add3A, %dma_wait3A_411, %dma_wait3A_412] : memref<32x8x32xi32, #tpu.memory_space<hbm>> -> memref<1x8x32xi32, #tpu.memory_space<hbm>>
      %dma_wait3A_414 = tpu.memref_squeeze %dma_wait3A_413 : memref<1x8x32xi32, #tpu.memory_space<hbm>> -> memref<8x32xi32, #tpu.memory_space<hbm>>
      %dma_wait3A_415 = arith.constant 0 : i32
      %dma_wait3A_416 = arith.constant 0 : i32
      %dma_wait3A_417 = tpu.memref_slice %arg2[%add3A, %dma_wait3A_415, %dma_wait3A_416] : memref<32x8x32xi32, #tpu.memory_space<hbm>> -> memref<1x8x32xi32, #tpu.memory_space<hbm>>
      %dma_wait3A_418 = tpu.memref_squeeze %dma_wait3A_417 : memref<1x8x32xi32, #tpu.memory_space<hbm>> -> memref<8x32xi32, #tpu.memory_space<hbm>>
      tpu.wait_dma2 semaphore(%run_scoped3A : memref<!tpu.dma_semaphore, #tpu.memory_space<semaphore_mem>>) src(%dma_wait3A_418 : memref<8x32xi32, #tpu.memory_space<hbm>>) dst(%arg8 : memref<8x32xi32, #tpu.memory_space<vmem>>)
      tpu.yield
    }) : () -> ()
    %dma_start3A = arith.constant 0 : i32
    %dma_start3A_5 = arith.constant 0 : i32
    %dma_start3A_6 = tpu.memref_slice %arg8[%dma_start3A, %dma_start3A_5] : memref<8x32xi32, #tpu.memory_space<vmem>> -> memref<1x32xi32, #tpu.memory_space<vmem>>
    %dma_start3A_7 = tpu.memref_squeeze %dma_start3A_6 : memref<1x32xi32, #tpu.memory_space<vmem>> -> memref<32xi32, #tpu.memory_space<vmem>>
    %dma_start3A_8 = arith.constant 0 : i32
    %dma_start3A_9 = arith.constant 0 : i32
    %dma_start3A_10 = tpu.memref_slice %arg3[%dma_start3A_8, %dma_start3A_9] : memref<1000x896xf32, #tpu.memory_space<hbm>> -> memref<1000x896xf32, #tpu.memory_space<hbm>>
    tpu.enqueue_indirect_dma source(%dma_start3A_10 : memref<1000x896xf32, #tpu.memory_space<hbm>>) target(%arg9 : memref<32x896xf32, #tpu.memory_space<vmem>>) offsets(%dma_start3A_7 : memref<32xi32, #tpu.memory_space<vmem>>) semaphore(%arg16 : memref<!tpu.dma_semaphore, #tpu.memory_space<semaphore_mem>>)
    %dma_start3A_11 = arith.constant 0 : i32
    %dma_start3A_12 = arith.constant 0 : i32
    %dma_start3A_13 = tpu.memref_slice %arg8[%dma_start3A_11, %dma_start3A_12] : memref<8x32xi32, #tpu.memory_space<vmem>> -> memref<1x32xi32, #tpu.memory_space<vmem>>
    %dma_start3A_14 = tpu.memref_squeeze %dma_start3A_13 : memref<1x32xi32, #tpu.memory_space<vmem>> -> memref<32xi32, #tpu.memory_space<vmem>>
    %dma_start3A_15 = arith.constant 0 : i32
    %dma_start3A_16 = arith.constant 0 : i32
    %dma_start3A_17 = tpu.memref_slice %arg4[%dma_start3A_15, %dma_start3A_16] : memref<1000x128xf32, #tpu.memory_space<hbm>> -> memref<1000x128xf32, #tpu.memory_space<hbm>>
    tpu.enqueue_indirect_dma source(%dma_start3A_17 : memref<1000x128xf32, #tpu.memory_space<hbm>>) target(%arg12 : memref<32x128xf32, #tpu.memory_space<vmem>>) offsets(%dma_start3A_14 : memref<32xi32, #tpu.memory_space<vmem>>) semaphore(%arg16 : memref<!tpu.dma_semaphore, #tpu.memory_space<semaphore_mem>>)
    %dma_start3A_18 = arith.constant 1 : i32
    %dma_start3A_19 = arith.constant 0 : i32
    %dma_start3A_20 = tpu.memref_slice %arg8[%dma_start3A_18, %dma_start3A_19] : memref<8x32xi32, #tpu.memory_space<vmem>> -> memref<1x32xi32, #tpu.memory_space<vmem>>
    %dma_start3A_21 = tpu.memref_squeeze %dma_start3A_20 : memref<1x32xi32, #tpu.memory_space<vmem>> -> memref<32xi32, #tpu.memory_space<vmem>>
    %dma_start3A_22 = arith.constant 0 : i32
    %dma_start3A_23 = arith.constant 0 : i32
    %dma_start3A_24 = tpu.memref_slice %arg3[%dma_start3A_22, %dma_start3A_23] : memref<1000x896xf32, #tpu.memory_space<hbm>> -> memref<1000x896xf32, #tpu.memory_space<hbm>>
    tpu.enqueue_indirect_dma source(%dma_start3A_24 : memref<1000x896xf32, #tpu.memory_space<hbm>>) target(%arg10 : memref<32x896xf32, #tpu.memory_space<vmem>>) offsets(%dma_start3A_21 : memref<32xi32, #tpu.memory_space<vmem>>) semaphore(%arg17 : memref<!tpu.dma_semaphore, #tpu.memory_space<semaphore_mem>>)
    %dma_start3A_25 = arith.constant 1 : i32
    %dma_start3A_26 = arith.constant 0 : i32
    %dma_start3A_27 = tpu.memref_slice %arg8[%dma_start3A_25, %dma_start3A_26] : memref<8x32xi32, #tpu.memory_space<vmem>> -> memref<1x32xi32, #tpu.memory_space<vmem>>
    %dma_start3A_28 = tpu.memref_squeeze %dma_start3A_27 : memref<1x32xi32, #tpu.memory_space<vmem>> -> memref<32xi32, #tpu.memory_space<vmem>>
    %dma_start3A_29 = arith.constant 0 : i32
    %dma_start3A_30 = arith.constant 0 : i32
    %dma_start3A_31 = tpu.memref_slice %arg4[%dma_start3A_29, %dma_start3A_30] : memref<1000x128xf32, #tpu.memory_space<hbm>> -> memref<1000x128xf32, #tpu.memory_space<hbm>>
    tpu.enqueue_indirect_dma source(%dma_start3A_31 : memref<1000x128xf32, #tpu.memory_space<hbm>>) target(%arg13 : memref<32x128xf32, #tpu.memory_space<vmem>>) offsets(%dma_start3A_28 : memref<32xi32, #tpu.memory_space<vmem>>) semaphore(%arg17 : memref<!tpu.dma_semaphore, #tpu.memory_space<semaphore_mem>>)
    "tpu.region"() ({
      %run_scoped3A = tpu.sem_alloc : memref<!tpu.dma_semaphore, #tpu.memory_space<semaphore_mem>>
      tpu.enqueue_dma source(%arg5 : memref<16x1000xf32, #tpu.memory_space<hbm>>) target(%arg15 : memref<16x1000xf32, #tpu.memory_space<vmem>>) target_semaphore(%run_scoped3A : memref<!tpu.dma_semaphore, #tpu.memory_space<semaphore_mem>>)
      tpu.wait_dma2 semaphore(%run_scoped3A : memref<!tpu.dma_semaphore, #tpu.memory_space<semaphore_mem>>) src(%arg5 : memref<16x1000xf32, #tpu.memory_space<hbm>>) dst(%arg15 : memref<16x1000xf32, #tpu.memory_space<vmem>>)
      tpu.yield
    }) : () -> ()
    "tpu.region"() ({
      %run_scoped3A = tpu.sem_alloc : memref<!tpu.dma_semaphore, #tpu.memory_space<semaphore_mem>>
      %dma_start3A_403 = arith.constant 0 : i32
      %dma_start3A_404 = tpu.memref_slice %arg6[%mul3A_2, %dma_start3A_403] : memref<8704x1000xf32, #tpu.memory_space<hbm>> -> memref<16x1000xf32, #tpu.memory_space<hbm>>
      %dma_start3A_405 = arith.constant 0 : i32
      %dma_start3A_406 = tpu.memref_slice %arg6[%mul3A_2, %dma_start3A_405] : memref<8704x1000xf32, #tpu.memory_space<hbm>> -> memref<16x1000xf32, #tpu.memory_space<hbm>>
      tpu.enqueue_dma source(%arg15 : memref<16x1000xf32, #tpu.memory_space<vmem>>) target(%dma_start3A_406 : memref<16x1000xf32, #tpu.memory_space<hbm>>) target_semaphore(%run_scoped3A : memref<!tpu.dma_semaphore, #tpu.memory_space<semaphore_mem>>)
      %dma_wait3A_407 = arith.constant 0 : i32
      %dma_wait3A_408 = tpu.memref_slice %arg6[%mul3A_2, %dma_wait3A_407] : memref<8704x1000xf32, #tpu.memory_space<hbm>> -> memref<16x1000xf32, #tpu.memory_space<hbm>>
      %dma_wait3A_409 = arith.constant 0 : i32
      %dma_wait3A_410 = tpu.memref_slice %arg6[%mul3A_2, %dma_wait3A_409] : memref<8704x1000xf32, #tpu.memory_space<hbm>> -> memref<16x1000xf32, #tpu.memory_space<hbm>>
      tpu.wait_dma2 semaphore(%run_scoped3A : memref<!tpu.dma_semaphore, #tpu.memory_space<semaphore_mem>>) src(%arg15 : memref<16x1000xf32, #tpu.memory_space<vmem>>) dst(%dma_wait3A_410 : memref<16x1000xf32, #tpu.memory_space<hbm>>)
      tpu.yield
    }) : () -> ()
    %dma_wait3A = arith.constant 0 : i32
    %dma_wait3A_32 = arith.constant 0 : i32
    %dma_wait3A_33 = tpu.memref_slice %arg8[%dma_wait3A, %dma_wait3A_32] : memref<8x32xi32, #tpu.memory_space<vmem>> -> memref<1x32xi32, #tpu.memory_space<vmem>>
    %dma_wait3A_34 = tpu.memref_squeeze %dma_wait3A_33 : memref<1x32xi32, #tpu.memory_space<vmem>> -> memref<32xi32, #tpu.memory_space<vmem>>
    %dma_wait3A_35 = arith.constant 0 : i32
    %dma_wait3A_36 = arith.constant 0 : i32
    %dma_wait3A_37 = tpu.memref_slice %arg3[%dma_wait3A_35, %dma_wait3A_36] : memref<1000x896xf32, #tpu.memory_space<hbm>> -> memref<1000x896xf32, #tpu.memory_space<hbm>>
    tpu.wait_indirect_dma semaphore(%arg16 : memref<!tpu.dma_semaphore, #tpu.memory_space<semaphore_mem>>) src(%dma_wait3A_37 : memref<1000x896xf32, #tpu.memory_space<hbm>>) dst(%arg9 : memref<32x896xf32, #tpu.memory_space<vmem>>)
    %dma_wait3A_38 = arith.constant 0 : i32
    %dma_wait3A_39 = arith.constant 0 : i32
    %dma_wait3A_40 = tpu.memref_slice %arg8[%dma_wait3A_38, %dma_wait3A_39] : memref<8x32xi32, #tpu.memory_space<vmem>> -> memref<1x32xi32, #tpu.memory_space<vmem>>
    %dma_wait3A_41 = tpu.memref_squeeze %dma_wait3A_40 : memref<1x32xi32, #tpu.memory_space<vmem>> -> memref<32xi32, #tpu.memory_space<vmem>>
    %dma_wait3A_42 = arith.constant 0 : i32
    %dma_wait3A_43 = arith.constant 0 : i32
    %dma_wait3A_44 = tpu.memref_slice %arg4[%dma_wait3A_42, %dma_wait3A_43] : memref<1000x128xf32, #tpu.memory_space<hbm>> -> memref<1000x128xf32, #tpu.memory_space<hbm>>
    tpu.wait_indirect_dma semaphore(%arg16 : memref<!tpu.dma_semaphore, #tpu.memory_space<semaphore_mem>>) src(%dma_wait3A_44 : memref<1000x128xf32, #tpu.memory_space<hbm>>) dst(%arg12 : memref<32x128xf32, #tpu.memory_space<vmem>>)
    %add3A_45 = arith.constant 16 : i32
    %add3A_46 = arith.addi %mul3A_2, %add3A_45 : i32
    %add3A_47 = arith.constant 0 : i32
    %add3A_48 = arith.addi %add3A_46, %add3A_47 : i32
    %dma_start3A_49 = arith.constant 0 : i32
    %dma_start3A_50 = tpu.memref_slice %arg6[%add3A_48, %dma_start3A_49] : memref<8704x1000xf32, #tpu.memory_space<hbm>> -> memref<32x896xf32, #tpu.memory_space<hbm>>
    %dma_start3A_51 = arith.constant 0 : i32
    %dma_start3A_52 = tpu.memref_slice %arg6[%add3A_48, %dma_start3A_51] : memref<8704x1000xf32, #tpu.memory_space<hbm>> -> memref<32x896xf32, #tpu.memory_space<hbm>>
    tpu.enqueue_dma source(%arg9 : memref<32x896xf32, #tpu.memory_space<vmem>>) target(%dma_start3A_52 : memref<32x896xf32, #tpu.memory_space<hbm>>) target_semaphore(%arg19 : memref<!tpu.dma_semaphore, #tpu.memory_space<semaphore_mem>>)
    %add3A_53 = arith.constant 0 : i32
    %add3A_54 = arith.addi %mul3A_4, %add3A_53 : i32
    %dma_start3A_55 = arith.constant 0 : i32
    %dma_start3A_56 = tpu.memref_slice %arg7[%add3A_54, %dma_start3A_55] : memref<8192x128xf32, #tpu.memory_space<hbm>> -> memref<32x128xf32, #tpu.memory_space<hbm>>
    %dma_start3A_57 = arith.constant 0 : i32
    %dma_start3A_58 = tpu.memref_slice %arg7[%add3A_54, %dma_start3A_57] : memref<8192x128xf32, #tpu.memory_space<hbm>> -> memref<32x128xf32, #tpu.memory_space<hbm>>
    tpu.enqueue_dma source(%arg12 : memref<32x128xf32, #tpu.memory_space<vmem>>) target(%dma_start3A_58 : memref<32x128xf32, #tpu.memory_space<hbm>>) target_semaphore(%arg19 : memref<!tpu.dma_semaphore, #tpu.memory_space<semaphore_mem>>)
    %dma_start3A_59 = arith.constant 2 : i32
    %dma_start3A_60 = arith.constant 0 : i32
    %dma_start3A_61 = tpu.memref_slice %arg8[%dma_start3A_59, %dma_start3A_60] : memref<8x32xi32, #tpu.memory_space<vmem>> -> memref<1x32xi32, #tpu.memory_space<vmem>>
    %dma_start3A_62 = tpu.memref_squeeze %dma_start3A_61 : memref<1x32xi32, #tpu.memory_space<vmem>> -> memref<32xi32, #tpu.memory_space<vmem>>
    %dma_start3A_63 = arith.constant 0 : i32
    %dma_start3A_64 = arith.constant 0 : i32
    %dma_start3A_65 = tpu.memref_slice %arg3[%dma_start3A_63, %dma_start3A_64] : memref<1000x896xf32, #tpu.memory_space<hbm>> -> memref<1000x896xf32, #tpu.memory_space<hbm>>
    tpu.enqueue_indirect_dma source(%dma_start3A_65 : memref<1000x896xf32, #tpu.memory_space<hbm>>) target(%arg11 : memref<32x896xf32, #tpu.memory_space<vmem>>) offsets(%dma_start3A_62 : memref<32xi32, #tpu.memory_space<vmem>>) semaphore(%arg18 : memref<!tpu.dma_semaphore, #tpu.memory_space<semaphore_mem>>)
    %dma_start3A_66 = arith.constant 2 : i32
    %dma_start3A_67 = arith.constant 0 : i32
    %dma_start3A_68 = tpu.memref_slice %arg8[%dma_start3A_66, %dma_start3A_67] : memref<8x32xi32, #tpu.memory_space<vmem>> -> memref<1x32xi32, #tpu.memory_space<vmem>>
    %dma_start3A_69 = tpu.memref_squeeze %dma_start3A_68 : memref<1x32xi32, #tpu.memory_space<vmem>> -> memref<32xi32, #tpu.memory_space<vmem>>
    %dma_start3A_70 = arith.constant 0 : i32
    %dma_start3A_71 = arith.constant 0 : i32
    %dma_start3A_72 = tpu.memref_slice %arg4[%dma_start3A_70, %dma_start3A_71] : memref<1000x128xf32, #tpu.memory_space<hbm>> -> memref<1000x128xf32, #tpu.memory_space<hbm>>
    tpu.enqueue_indirect_dma source(%dma_start3A_72 : memref<1000x128xf32, #tpu.memory_space<hbm>>) target(%arg14 : memref<32x128xf32, #tpu.memory_space<vmem>>) offsets(%dma_start3A_69 : memref<32xi32, #tpu.memory_space<vmem>>) semaphore(%arg18 : memref<!tpu.dma_semaphore, #tpu.memory_space<semaphore_mem>>)
    %dma_wait3A_73 = arith.constant 1 : i32
    %dma_wait3A_74 = arith.constant 0 : i32
    %dma_wait3A_75 = tpu.memref_slice %arg8[%dma_wait3A_73, %dma_wait3A_74] : memref<8x32xi32, #tpu.memory_space<vmem>> -> memref<1x32xi32, #tpu.memory_space<vmem>>
    %dma_wait3A_76 = tpu.memref_squeeze %dma_wait3A_75 : memref<1x32xi32, #tpu.memory_space<vmem>> -> memref<32xi32, #tpu.memory_space<vmem>>
    %dma_wait3A_77 = arith.constant 0 : i32
    %dma_wait3A_78 = arith.constant 0 : i32
    %dma_wait3A_79 = tpu.memref_slice %arg3[%dma_wait3A_77, %dma_wait3A_78] : memref<1000x896xf32, #tpu.memory_space<hbm>> -> memref<1000x896xf32, #tpu.memory_space<hbm>>
    tpu.wait_indirect_dma semaphore(%arg17 : memref<!tpu.dma_semaphore, #tpu.memory_space<semaphore_mem>>) src(%dma_wait3A_79 : memref<1000x896xf32, #tpu.memory_space<hbm>>) dst(%arg10 : memref<32x896xf32, #tpu.memory_space<vmem>>)
    %dma_wait3A_80 = arith.constant 1 : i32
    %dma_wait3A_81 = arith.constant 0 : i32
    %dma_wait3A_82 = tpu.memref_slice %arg8[%dma_wait3A_80, %dma_wait3A_81] : memref<8x32xi32, #tpu.memory_space<vmem>> -> memref<1x32xi32, #tpu.memory_space<vmem>>
    %dma_wait3A_83 = tpu.memref_squeeze %dma_wait3A_82 : memref<1x32xi32, #tpu.memory_space<vmem>> -> memref<32xi32, #tpu.memory_space<vmem>>
    %dma_wait3A_84 = arith.constant 0 : i32
    %dma_wait3A_85 = arith.constant 0 : i32
    %dma_wait3A_86 = tpu.memref_slice %arg4[%dma_wait3A_84, %dma_wait3A_85] : memref<1000x128xf32, #tpu.memory_space<hbm>> -> memref<1000x128xf32, #tpu.memory_space<hbm>>
    tpu.wait_indirect_dma semaphore(%arg17 : memref<!tpu.dma_semaphore, #tpu.memory_space<semaphore_mem>>) src(%dma_wait3A_86 : memref<1000x128xf32, #tpu.memory_space<hbm>>) dst(%arg13 : memref<32x128xf32, #tpu.memory_space<vmem>>)
    %add3A_87 = arith.constant 16 : i32
    %add3A_88 = arith.addi %mul3A_2, %add3A_87 : i32
    %add3A_89 = arith.constant 32 : i32
    %add3A_90 = arith.addi %add3A_88, %add3A_89 : i32
    %dma_start3A_91 = arith.constant 0 : i32
    %dma_start3A_92 = tpu.memref_slice %arg6[%add3A_90, %dma_start3A_91] : memref<8704x1000xf32, #tpu.memory_space<hbm>> -> memref<32x896xf32, #tpu.memory_space<hbm>>
    %dma_start3A_93 = arith.constant 0 : i32
    %dma_start3A_94 = tpu.memref_slice %arg6[%add3A_90, %dma_start3A_93] : memref<8704x1000xf32, #tpu.memory_space<hbm>> -> memref<32x896xf32, #tpu.memory_space<hbm>>
    tpu.enqueue_dma source(%arg10 : memref<32x896xf32, #tpu.memory_space<vmem>>) target(%dma_start3A_94 : memref<32x896xf32, #tpu.memory_space<hbm>>) target_semaphore(%arg20 : memref<!tpu.dma_semaphore, #tpu.memory_space<semaphore_mem>>)
    %add3A_95 = arith.constant 32 : i32
    %add3A_96 = arith.addi %mul3A_4, %add3A_95 : i32
    %dma_start3A_97 = arith.constant 0 : i32
    %dma_start3A_98 = tpu.memref_slice %arg7[%add3A_96, %dma_start3A_97] : memref<8192x128xf32, #tpu.memory_space<hbm>> -> memref<32x128xf32, #tpu.memory_space<hbm>>
    %dma_start3A_99 = arith.constant 0 : i32
    %dma_start3A_100 = tpu.memref_slice %arg7[%add3A_96, %dma_start3A_99] : memref<8192x128xf32, #tpu.memory_space<hbm>> -> memref<32x128xf32, #tpu.memory_space<hbm>>
    tpu.enqueue_dma source(%arg13 : memref<32x128xf32, #tpu.memory_space<vmem>>) target(%dma_start3A_100 : memref<32x128xf32, #tpu.memory_space<hbm>>) target_semaphore(%arg20 : memref<!tpu.dma_semaphore, #tpu.memory_space<semaphore_mem>>)
    %dma_wait3A_101 = arith.constant 0 : i32
    %dma_wait3A_102 = tpu.memref_slice %arg6[%add3A_48, %dma_wait3A_101] : memref<8704x1000xf32, #tpu.memory_space<hbm>> -> memref<32x896xf32, #tpu.memory_space<hbm>>
    %dma_wait3A_103 = arith.constant 0 : i32
    %dma_wait3A_104 = tpu.memref_slice %arg6[%add3A_48, %dma_wait3A_103] : memref<8704x1000xf32, #tpu.memory_space<hbm>> -> memref<32x896xf32, #tpu.memory_space<hbm>>
    tpu.wait_dma2 semaphore(%arg19 : memref<!tpu.dma_semaphore, #tpu.memory_space<semaphore_mem>>) src(%arg9 : memref<32x896xf32, #tpu.memory_space<vmem>>) dst(%dma_wait3A_104 : memref<32x896xf32, #tpu.memory_space<hbm>>)
    %dma_wait3A_105 = arith.constant 0 : i32
    %dma_wait3A_106 = tpu.memref_slice %arg7[%add3A_54, %dma_wait3A_105] : memref<8192x128xf32, #tpu.memory_space<hbm>> -> memref<32x128xf32, #tpu.memory_space<hbm>>
    %dma_wait3A_107 = arith.constant 0 : i32
    %dma_wait3A_108 = tpu.memref_slice %arg7[%add3A_54, %dma_wait3A_107] : memref<8192x128xf32, #tpu.memory_space<hbm>> -> memref<32x128xf32, #tpu.memory_space<hbm>>
    tpu.wait_dma2 semaphore(%arg19 : memref<!tpu.dma_semaphore, #tpu.memory_space<semaphore_mem>>) src(%arg12 : memref<32x128xf32, #tpu.memory_space<vmem>>) dst(%dma_wait3A_108 : memref<32x128xf32, #tpu.memory_space<hbm>>)
    %dma_start3A_109 = arith.constant 3 : i32
    %dma_start3A_110 = arith.constant 0 : i32
    %dma_start3A_111 = tpu.memref_slice %arg8[%dma_start3A_109, %dma_start3A_110] : memref<8x32xi32, #tpu.memory_space<vmem>> -> memref<1x32xi32, #tpu.memory_space<vmem>>
    %dma_start3A_112 = tpu.memref_squeeze %dma_start3A_111 : memref<1x32xi32, #tpu.memory_space<vmem>> -> memref<32xi32, #tpu.memory_space<vmem>>
    %dma_start3A_113 = arith.constant 0 : i32
    %dma_start3A_114 = arith.constant 0 : i32
    %dma_start3A_115 = tpu.memref_slice %arg3[%dma_start3A_113, %dma_start3A_114] : memref<1000x896xf32, #tpu.memory_space<hbm>> -> memref<1000x896xf32, #tpu.memory_space<hbm>>
    tpu.enqueue_indirect_dma source(%dma_start3A_115 : memref<1000x896xf32, #tpu.memory_space<hbm>>) target(%arg9 : memref<32x896xf32, #tpu.memory_space<vmem>>) offsets(%dma_start3A_112 : memref<32xi32, #tpu.memory_space<vmem>>) semaphore(%arg16 : memref<!tpu.dma_semaphore, #tpu.memory_space<semaphore_mem>>)
    %dma_start3A_116 = arith.constant 3 : i32
    %dma_start3A_117 = arith.constant 0 : i32
    %dma_start3A_118 = tpu.memref_slice %arg8[%dma_start3A_116, %dma_start3A_117] : memref<8x32xi32, #tpu.memory_space<vmem>> -> memref<1x32xi32, #tpu.memory_space<vmem>>
    %dma_start3A_119 = tpu.memref_squeeze %dma_start3A_118 : memref<1x32xi32, #tpu.memory_space<vmem>> -> memref<32xi32, #tpu.memory_space<vmem>>
    %dma_start3A_120 = arith.constant 0 : i32
    %dma_start3A_121 = arith.constant 0 : i32
    %dma_start3A_122 = tpu.memref_slice %arg4[%dma_start3A_120, %dma_start3A_121] : memref<1000x128xf32, #tpu.memory_space<hbm>> -> memref<1000x128xf32, #tpu.memory_space<hbm>>
    tpu.enqueue_indirect_dma source(%dma_start3A_122 : memref<1000x128xf32, #tpu.memory_space<hbm>>) target(%arg12 : memref<32x128xf32, #tpu.memory_space<vmem>>) offsets(%dma_start3A_119 : memref<32xi32, #tpu.memory_space<vmem>>) semaphore(%arg16 : memref<!tpu.dma_semaphore, #tpu.memory_space<semaphore_mem>>)
    %dma_wait3A_123 = arith.constant 2 : i32
    %dma_wait3A_124 = arith.constant 0 : i32
    %dma_wait3A_125 = tpu.memref_slice %arg8[%dma_wait3A_123, %dma_wait3A_124] : memref<8x32xi32, #tpu.memory_space<vmem>> -> memref<1x32xi32, #tpu.memory_space<vmem>>
    %dma_wait3A_126 = tpu.memref_squeeze %dma_wait3A_125 : memref<1x32xi32, #tpu.memory_space<vmem>> -> memref<32xi32, #tpu.memory_space<vmem>>
    %dma_wait3A_127 = arith.constant 0 : i32
    %dma_wait3A_128 = arith.constant 0 : i32
    %dma_wait3A_129 = tpu.memref_slice %arg3[%dma_wait3A_127, %dma_wait3A_128] : memref<1000x896xf32, #tpu.memory_space<hbm>> -> memref<1000x896xf32, #tpu.memory_space<hbm>>
    tpu.wait_indirect_dma semaphore(%arg18 : memref<!tpu.dma_semaphore, #tpu.memory_space<semaphore_mem>>) src(%dma_wait3A_129 : memref<1000x896xf32, #tpu.memory_space<hbm>>) dst(%arg11 : memref<32x896xf32, #tpu.memory_space<vmem>>)
    %dma_wait3A_130 = arith.constant 2 : i32
    %dma_wait3A_131 = arith.constant 0 : i32
    %dma_wait3A_132 = tpu.memref_slice %arg8[%dma_wait3A_130, %dma_wait3A_131] : memref<8x32xi32, #tpu.memory_space<vmem>> -> memref<1x32xi32, #tpu.memory_space<vmem>>
    %dma_wait3A_133 = tpu.memref_squeeze %dma_wait3A_132 : memref<1x32xi32, #tpu.memory_space<vmem>> -> memref<32xi32, #tpu.memory_space<vmem>>
    %dma_wait3A_134 = arith.constant 0 : i32
    %dma_wait3A_135 = arith.constant 0 : i32
    %dma_wait3A_136 = tpu.memref_slice %arg4[%dma_wait3A_134, %dma_wait3A_135] : memref<1000x128xf32, #tpu.memory_space<hbm>> -> memref<1000x128xf32, #tpu.memory_space<hbm>>
    tpu.wait_indirect_dma semaphore(%arg18 : memref<!tpu.dma_semaphore, #tpu.memory_space<semaphore_mem>>) src(%dma_wait3A_136 : memref<1000x128xf32, #tpu.memory_space<hbm>>) dst(%arg14 : memref<32x128xf32, #tpu.memory_space<vmem>>)
    %add3A_137 = arith.constant 16 : i32
    %add3A_138 = arith.addi %mul3A_2, %add3A_137 : i32
    %add3A_139 = arith.constant 64 : i32
    %add3A_140 = arith.addi %add3A_138, %add3A_139 : i32
    %dma_start3A_141 = arith.constant 0 : i32
    %dma_start3A_142 = tpu.memref_slice %arg6[%add3A_140, %dma_start3A_141] : memref<8704x1000xf32, #tpu.memory_space<hbm>> -> memref<32x896xf32, #tpu.memory_space<hbm>>
    %dma_start3A_143 = arith.constant 0 : i32
    %dma_start3A_144 = tpu.memref_slice %arg6[%add3A_140, %dma_start3A_143] : memref<8704x1000xf32, #tpu.memory_space<hbm>> -> memref<32x896xf32, #tpu.memory_space<hbm>>
    tpu.enqueue_dma source(%arg11 : memref<32x896xf32, #tpu.memory_space<vmem>>) target(%dma_start3A_144 : memref<32x896xf32, #tpu.memory_space<hbm>>) target_semaphore(%arg21 : memref<!tpu.dma_semaphore, #tpu.memory_space<semaphore_mem>>)
    %add3A_145 = arith.constant 64 : i32
    %add3A_146 = arith.addi %mul3A_4, %add3A_145 : i32
    %dma_start3A_147 = arith.constant 0 : i32
    %dma_start3A_148 = tpu.memref_slice %arg7[%add3A_146, %dma_start3A_147] : memref<8192x128xf32, #tpu.memory_space<hbm>> -> memref<32x128xf32, #tpu.memory_space<hbm>>
    %dma_start3A_149 = arith.constant 0 : i32
    %dma_start3A_150 = tpu.memref_slice %arg7[%add3A_146, %dma_start3A_149] : memref<8192x128xf32, #tpu.memory_space<hbm>> -> memref<32x128xf32, #tpu.memory_space<hbm>>
    tpu.enqueue_dma source(%arg14 : memref<32x128xf32, #tpu.memory_space<vmem>>) target(%dma_start3A_150 : memref<32x128xf32, #tpu.memory_space<hbm>>) target_semaphore(%arg21 : memref<!tpu.dma_semaphore, #tpu.memory_space<semaphore_mem>>)
    %dma_wait3A_151 = arith.constant 0 : i32
    %dma_wait3A_152 = tpu.memref_slice %arg6[%add3A_90, %dma_wait3A_151] : memref<8704x1000xf32, #tpu.memory_space<hbm>> -> memref<32x896xf32, #tpu.memory_space<hbm>>
    %dma_wait3A_153 = arith.constant 0 : i32
    %dma_wait3A_154 = tpu.memref_slice %arg6[%add3A_90, %dma_wait3A_153] : memref<8704x1000xf32, #tpu.memory_space<hbm>> -> memref<32x896xf32, #tpu.memory_space<hbm>>
    tpu.wait_dma2 semaphore(%arg20 : memref<!tpu.dma_semaphore, #tpu.memory_space<semaphore_mem>>) src(%arg10 : memref<32x896xf32, #tpu.memory_space<vmem>>) dst(%dma_wait3A_154 : memref<32x896xf32, #tpu.memory_space<hbm>>)
    %dma_wait3A_155 = arith.constant 0 : i32
    %dma_wait3A_156 = tpu.memref_slice %arg7[%add3A_96, %dma_wait3A_155] : memref<8192x128xf32, #tpu.memory_space<hbm>> -> memref<32x128xf32, #tpu.memory_space<hbm>>
    %dma_wait3A_157 = arith.constant 0 : i32
    %dma_wait3A_158 = tpu.memref_slice %arg7[%add3A_96, %dma_wait3A_157] : memref<8192x128xf32, #tpu.memory_space<hbm>> -> memref<32x128xf32, #tpu.memory_space<hbm>>
    tpu.wait_dma2 semaphore(%arg20 : memref<!tpu.dma_semaphore, #tpu.memory_space<semaphore_mem>>) src(%arg13 : memref<32x128xf32, #tpu.memory_space<vmem>>) dst(%dma_wait3A_158 : memref<32x128xf32, #tpu.memory_space<hbm>>)
    %dma_start3A_159 = arith.constant 4 : i32
    %dma_start3A_160 = arith.constant 0 : i32
    %dma_start3A_161 = tpu.memref_slice %arg8[%dma_start3A_159, %dma_start3A_160] : memref<8x32xi32, #tpu.memory_space<vmem>> -> memref<1x32xi32, #tpu.memory_space<vmem>>
    %dma_start3A_162 = tpu.memref_squeeze %dma_start3A_161 : memref<1x32xi32, #tpu.memory_space<vmem>> -> memref<32xi32, #tpu.memory_space<vmem>>
    %dma_start3A_163 = arith.constant 0 : i32
    %dma_start3A_164 = arith.constant 0 : i32
    %dma_start3A_165 = tpu.memref_slice %arg3[%dma_start3A_163, %dma_start3A_164] : memref<1000x896xf32, #tpu.memory_space<hbm>> -> memref<1000x896xf32, #tpu.memory_space<hbm>>
    tpu.enqueue_indirect_dma source(%dma_start3A_165 : memref<1000x896xf32, #tpu.memory_space<hbm>>) target(%arg10 : memref<32x896xf32, #tpu.memory_space<vmem>>) offsets(%dma_start3A_162 : memref<32xi32, #tpu.memory_space<vmem>>) semaphore(%arg17 : memref<!tpu.dma_semaphore, #tpu.memory_space<semaphore_mem>>)
    %dma_start3A_166 = arith.constant 4 : i32
    %dma_start3A_167 = arith.constant 0 : i32
    %dma_start3A_168 = tpu.memref_slice %arg8[%dma_start3A_166, %dma_start3A_167] : memref<8x32xi32, #tpu.memory_space<vmem>> -> memref<1x32xi32, #tpu.memory_space<vmem>>
    %dma_start3A_169 = tpu.memref_squeeze %dma_start3A_168 : memref<1x32xi32, #tpu.memory_space<vmem>> -> memref<32xi32, #tpu.memory_space<vmem>>
    %dma_start3A_170 = arith.constant 0 : i32
    %dma_start3A_171 = arith.constant 0 : i32
    %dma_start3A_172 = tpu.memref_slice %arg4[%dma_start3A_170, %dma_start3A_171] : memref<1000x128xf32, #tpu.memory_space<hbm>> -> memref<1000x128xf32, #tpu.memory_space<hbm>>
    tpu.enqueue_indirect_dma source(%dma_start3A_172 : memref<1000x128xf32, #tpu.memory_space<hbm>>) target(%arg13 : memref<32x128xf32, #tpu.memory_space<vmem>>) offsets(%dma_start3A_169 : memref<32xi32, #tpu.memory_space<vmem>>) semaphore(%arg17 : memref<!tpu.dma_semaphore, #tpu.memory_space<semaphore_mem>>)
    %dma_wait3A_173 = arith.constant 3 : i32
    %dma_wait3A_174 = arith.constant 0 : i32
    %dma_wait3A_175 = tpu.memref_slice %arg8[%dma_wait3A_173, %dma_wait3A_174] : memref<8x32xi32, #tpu.memory_space<vmem>> -> memref<1x32xi32, #tpu.memory_space<vmem>>
    %dma_wait3A_176 = tpu.memref_squeeze %dma_wait3A_175 : memref<1x32xi32, #tpu.memory_space<vmem>> -> memref<32xi32, #tpu.memory_space<vmem>>
    %dma_wait3A_177 = arith.constant 0 : i32
    %dma_wait3A_178 = arith.constant 0 : i32
    %dma_wait3A_179 = tpu.memref_slice %arg3[%dma_wait3A_177, %dma_wait3A_178] : memref<1000x896xf32, #tpu.memory_space<hbm>> -> memref<1000x896xf32, #tpu.memory_space<hbm>>
    tpu.wait_indirect_dma semaphore(%arg16 : memref<!tpu.dma_semaphore, #tpu.memory_space<semaphore_mem>>) src(%dma_wait3A_179 : memref<1000x896xf32, #tpu.memory_space<hbm>>) dst(%arg9 : memref<32x896xf32, #tpu.memory_space<vmem>>)
    %dma_wait3A_180 = arith.constant 3 : i32
    %dma_wait3A_181 = arith.constant 0 : i32
    %dma_wait3A_182 = tpu.memref_slice %arg8[%dma_wait3A_180, %dma_wait3A_181] : memref<8x32xi32, #tpu.memory_space<vmem>> -> memref<1x32xi32, #tpu.memory_space<vmem>>
    %dma_wait3A_183 = tpu.memref_squeeze %dma_wait3A_182 : memref<1x32xi32, #tpu.memory_space<vmem>> -> memref<32xi32, #tpu.memory_space<vmem>>
    %dma_wait3A_184 = arith.constant 0 : i32
    %dma_wait3A_185 = arith.constant 0 : i32
    %dma_wait3A_186 = tpu.memref_slice %arg4[%dma_wait3A_184, %dma_wait3A_185] : memref<1000x128xf32, #tpu.memory_space<hbm>> -> memref<1000x128xf32, #tpu.memory_space<hbm>>
    tpu.wait_indirect_dma semaphore(%arg16 : memref<!tpu.dma_semaphore, #tpu.memory_space<semaphore_mem>>) src(%dma_wait3A_186 : memref<1000x128xf32, #tpu.memory_space<hbm>>) dst(%arg12 : memref<32x128xf32, #tpu.memory_space<vmem>>)
    %add3A_187 = arith.constant 16 : i32
    %add3A_188 = arith.addi %mul3A_2, %add3A_187 : i32
    %add3A_189 = arith.constant 96 : i32
    %add3A_190 = arith.addi %add3A_188, %add3A_189 : i32
    %dma_start3A_191 = arith.constant 0 : i32
    %dma_start3A_192 = tpu.memref_slice %arg6[%add3A_190, %dma_start3A_191] : memref<8704x1000xf32, #tpu.memory_space<hbm>> -> memref<32x896xf32, #tpu.memory_space<hbm>>
    %dma_start3A_193 = arith.constant 0 : i32
    %dma_start3A_194 = tpu.memref_slice %arg6[%add3A_190, %dma_start3A_193] : memref<8704x1000xf32, #tpu.memory_space<hbm>> -> memref<32x896xf32, #tpu.memory_space<hbm>>
    tpu.enqueue_dma source(%arg9 : memref<32x896xf32, #tpu.memory_space<vmem>>) target(%dma_start3A_194 : memref<32x896xf32, #tpu.memory_space<hbm>>) target_semaphore(%arg19 : memref<!tpu.dma_semaphore, #tpu.memory_space<semaphore_mem>>)
    %add3A_195 = arith.constant 96 : i32
    %add3A_196 = arith.addi %mul3A_4, %add3A_195 : i32
    %dma_start3A_197 = arith.constant 0 : i32
    %dma_start3A_198 = tpu.memref_slice %arg7[%add3A_196, %dma_start3A_197] : memref<8192x128xf32, #tpu.memory_space<hbm>> -> memref<32x128xf32, #tpu.memory_space<hbm>>
    %dma_start3A_199 = arith.constant 0 : i32
    %dma_start3A_200 = tpu.memref_slice %arg7[%add3A_196, %dma_start3A_199] : memref<8192x128xf32, #tpu.memory_space<hbm>> -> memref<32x128xf32, #tpu.memory_space<hbm>>
    tpu.enqueue_dma source(%arg12 : memref<32x128xf32, #tpu.memory_space<vmem>>) target(%dma_start3A_200 : memref<32x128xf32, #tpu.memory_space<hbm>>) target_semaphore(%arg19 : memref<!tpu.dma_semaphore, #tpu.memory_space<semaphore_mem>>)
    %dma_wait3A_201 = arith.constant 0 : i32
    %dma_wait3A_202 = tpu.memref_slice %arg6[%add3A_140, %dma_wait3A_201] : memref<8704x1000xf32, #tpu.memory_space<hbm>> -> memref<32x896xf32, #tpu.memory_space<hbm>>
    %dma_wait3A_203 = arith.constant 0 : i32
    %dma_wait3A_204 = tpu.memref_slice %arg6[%add3A_140, %dma_wait3A_203] : memref<8704x1000xf32, #tpu.memory_space<hbm>> -> memref<32x896xf32, #tpu.memory_space<hbm>>
    tpu.wait_dma2 semaphore(%arg21 : memref<!tpu.dma_semaphore, #tpu.memory_space<semaphore_mem>>) src(%arg11 : memref<32x896xf32, #tpu.memory_space<vmem>>) dst(%dma_wait3A_204 : memref<32x896xf32, #tpu.memory_space<hbm>>)
    %dma_wait3A_205 = arith.constant 0 : i32
    %dma_wait3A_206 = tpu.memref_slice %arg7[%add3A_146, %dma_wait3A_205] : memref<8192x128xf32, #tpu.memory_space<hbm>> -> memref<32x128xf32, #tpu.memory_space<hbm>>
    %dma_wait3A_207 = arith.constant 0 : i32
    %dma_wait3A_208 = tpu.memref_slice %arg7[%add3A_146, %dma_wait3A_207] : memref<8192x128xf32, #tpu.memory_space<hbm>> -> memref<32x128xf32, #tpu.memory_space<hbm>>
    tpu.wait_dma2 semaphore(%arg21 : memref<!tpu.dma_semaphore, #tpu.memory_space<semaphore_mem>>) src(%arg14 : memref<32x128xf32, #tpu.memory_space<vmem>>) dst(%dma_wait3A_208 : memref<32x128xf32, #tpu.memory_space<hbm>>)
    %dma_start3A_209 = arith.constant 5 : i32
    %dma_start3A_210 = arith.constant 0 : i32
    %dma_start3A_211 = tpu.memref_slice %arg8[%dma_start3A_209, %dma_start3A_210] : memref<8x32xi32, #tpu.memory_space<vmem>> -> memref<1x32xi32, #tpu.memory_space<vmem>>
    %dma_start3A_212 = tpu.memref_squeeze %dma_start3A_211 : memref<1x32xi32, #tpu.memory_space<vmem>> -> memref<32xi32, #tpu.memory_space<vmem>>
    %dma_start3A_213 = arith.constant 0 : i32
    %dma_start3A_214 = arith.constant 0 : i32
    %dma_start3A_215 = tpu.memref_slice %arg3[%dma_start3A_213, %dma_start3A_214] : memref<1000x896xf32, #tpu.memory_space<hbm>> -> memref<1000x896xf32, #tpu.memory_space<hbm>>
    tpu.enqueue_indirect_dma source(%dma_start3A_215 : memref<1000x896xf32, #tpu.memory_space<hbm>>) target(%arg11 : memref<32x896xf32, #tpu.memory_space<vmem>>) offsets(%dma_start3A_212 : memref<32xi32, #tpu.memory_space<vmem>>) semaphore(%arg18 : memref<!tpu.dma_semaphore, #tpu.memory_space<semaphore_mem>>)
    %dma_start3A_216 = arith.constant 5 : i32
    %dma_start3A_217 = arith.constant 0 : i32
    %dma_start3A_218 = tpu.memref_slice %arg8[%dma_start3A_216, %dma_start3A_217] : memref<8x32xi32, #tpu.memory_space<vmem>> -> memref<1x32xi32, #tpu.memory_space<vmem>>
    %dma_start3A_219 = tpu.memref_squeeze %dma_start3A_218 : memref<1x32xi32, #tpu.memory_space<vmem>> -> memref<32xi32, #tpu.memory_space<vmem>>
    %dma_start3A_220 = arith.constant 0 : i32
    %dma_start3A_221 = arith.constant 0 : i32
    %dma_start3A_222 = tpu.memref_slice %arg4[%dma_start3A_220, %dma_start3A_221] : memref<1000x128xf32, #tpu.memory_space<hbm>> -> memref<1000x128xf32, #tpu.memory_space<hbm>>
    tpu.enqueue_indirect_dma source(%dma_start3A_222 : memref<1000x128xf32, #tpu.memory_space<hbm>>) target(%arg14 : memref<32x128xf32, #tpu.memory_space<vmem>>) offsets(%dma_start3A_219 : memref<32xi32, #tpu.memory_space<vmem>>) semaphore(%arg18 : memref<!tpu.dma_semaphore, #tpu.memory_space<semaphore_mem>>)
    %dma_wait3A_223 = arith.constant 4 : i32
    %dma_wait3A_224 = arith.constant 0 : i32
    %dma_wait3A_225 = tpu.memref_slice %arg8[%dma_wait3A_223, %dma_wait3A_224] : memref<8x32xi32, #tpu.memory_space<vmem>> -> memref<1x32xi32, #tpu.memory_space<vmem>>
    %dma_wait3A_226 = tpu.memref_squeeze %dma_wait3A_225 : memref<1x32xi32, #tpu.memory_space<vmem>> -> memref<32xi32, #tpu.memory_space<vmem>>
    %dma_wait3A_227 = arith.constant 0 : i32
    %dma_wait3A_228 = arith.constant 0 : i32
    %dma_wait3A_229 = tpu.memref_slice %arg3[%dma_wait3A_227, %dma_wait3A_228] : memref<1000x896xf32, #tpu.memory_space<hbm>> -> memref<1000x896xf32, #tpu.memory_space<hbm>>
    tpu.wait_indirect_dma semaphore(%arg17 : memref<!tpu.dma_semaphore, #tpu.memory_space<semaphore_mem>>) src(%dma_wait3A_229 : memref<1000x896xf32, #tpu.memory_space<hbm>>) dst(%arg10 : memref<32x896xf32, #tpu.memory_space<vmem>>)
    %dma_wait3A_230 = arith.constant 4 : i32
    %dma_wait3A_231 = arith.constant 0 : i32
    %dma_wait3A_232 = tpu.memref_slice %arg8[%dma_wait3A_230, %dma_wait3A_231] : memref<8x32xi32, #tpu.memory_space<vmem>> -> memref<1x32xi32, #tpu.memory_space<vmem>>
    %dma_wait3A_233 = tpu.memref_squeeze %dma_wait3A_232 : memref<1x32xi32, #tpu.memory_space<vmem>> -> memref<32xi32, #tpu.memory_space<vmem>>
    %dma_wait3A_234 = arith.constant 0 : i32
    %dma_wait3A_235 = arith.constant 0 : i32
    %dma_wait3A_236 = tpu.memref_slice %arg4[%dma_wait3A_234, %dma_wait3A_235] : memref<1000x128xf32, #tpu.memory_space<hbm>> -> memref<1000x128xf32, #tpu.memory_space<hbm>>
    tpu.wait_indirect_dma semaphore(%arg17 : memref<!tpu.dma_semaphore, #tpu.memory_space<semaphore_mem>>) src(%dma_wait3A_236 : memref<1000x128xf32, #tpu.memory_space<hbm>>) dst(%arg13 : memref<32x128xf32, #tpu.memory_space<vmem>>)
    %add3A_237 = arith.constant 16 : i32
    %add3A_238 = arith.addi %mul3A_2, %add3A_237 : i32
    %add3A_239 = arith.constant 128 : i32
    %add3A_240 = arith.addi %add3A_238, %add3A_239 : i32
    %dma_start3A_241 = arith.constant 0 : i32
    %dma_start3A_242 = tpu.memref_slice %arg6[%add3A_240, %dma_start3A_241] : memref<8704x1000xf32, #tpu.memory_space<hbm>> -> memref<32x896xf32, #tpu.memory_space<hbm>>
    %dma_start3A_243 = arith.constant 0 : i32
    %dma_start3A_244 = tpu.memref_slice %arg6[%add3A_240, %dma_start3A_243] : memref<8704x1000xf32, #tpu.memory_space<hbm>> -> memref<32x896xf32, #tpu.memory_space<hbm>>
    tpu.enqueue_dma source(%arg10 : memref<32x896xf32, #tpu.memory_space<vmem>>) target(%dma_start3A_244 : memref<32x896xf32, #tpu.memory_space<hbm>>) target_semaphore(%arg20 : memref<!tpu.dma_semaphore, #tpu.memory_space<semaphore_mem>>)
    %add3A_245 = arith.constant 128 : i32
    %add3A_246 = arith.addi %mul3A_4, %add3A_245 : i32
    %dma_start3A_247 = arith.constant 0 : i32
    %dma_start3A_248 = tpu.memref_slice %arg7[%add3A_246, %dma_start3A_247] : memref<8192x128xf32, #tpu.memory_space<hbm>> -> memref<32x128xf32, #tpu.memory_space<hbm>>
    %dma_start3A_249 = arith.constant 0 : i32
    %dma_start3A_250 = tpu.memref_slice %arg7[%add3A_246, %dma_start3A_249] : memref<8192x128xf32, #tpu.memory_space<hbm>> -> memref<32x128xf32, #tpu.memory_space<hbm>>
    tpu.enqueue_dma source(%arg13 : memref<32x128xf32, #tpu.memory_space<vmem>>) target(%dma_start3A_250 : memref<32x128xf32, #tpu.memory_space<hbm>>) target_semaphore(%arg20 : memref<!tpu.dma_semaphore, #tpu.memory_space<semaphore_mem>>)
    %dma_wait3A_251 = arith.constant 0 : i32
    %dma_wait3A_252 = tpu.memref_slice %arg6[%add3A_190, %dma_wait3A_251] : memref<8704x1000xf32, #tpu.memory_space<hbm>> -> memref<32x896xf32, #tpu.memory_space<hbm>>
    %dma_wait3A_253 = arith.constant 0 : i32
    %dma_wait3A_254 = tpu.memref_slice %arg6[%add3A_190, %dma_wait3A_253] : memref<8704x1000xf32, #tpu.memory_space<hbm>> -> memref<32x896xf32, #tpu.memory_space<hbm>>
    tpu.wait_dma2 semaphore(%arg19 : memref<!tpu.dma_semaphore, #tpu.memory_space<semaphore_mem>>) src(%arg9 : memref<32x896xf32, #tpu.memory_space<vmem>>) dst(%dma_wait3A_254 : memref<32x896xf32, #tpu.memory_space<hbm>>)
    %dma_wait3A_255 = arith.constant 0 : i32
    %dma_wait3A_256 = tpu.memref_slice %arg7[%add3A_196, %dma_wait3A_255] : memref<8192x128xf32, #tpu.memory_space<hbm>> -> memref<32x128xf32, #tpu.memory_space<hbm>>
    %dma_wait3A_257 = arith.constant 0 : i32
    %dma_wait3A_258 = tpu.memref_slice %arg7[%add3A_196, %dma_wait3A_257] : memref<8192x128xf32, #tpu.memory_space<hbm>> -> memref<32x128xf32, #tpu.memory_space<hbm>>
    tpu.wait_dma2 semaphore(%arg19 : memref<!tpu.dma_semaphore, #tpu.memory_space<semaphore_mem>>) src(%arg12 : memref<32x128xf32, #tpu.memory_space<vmem>>) dst(%dma_wait3A_258 : memref<32x128xf32, #tpu.memory_space<hbm>>)
    %dma_start3A_259 = arith.constant 6 : i32
    %dma_start3A_260 = arith.constant 0 : i32
    %dma_start3A_261 = tpu.memref_slice %arg8[%dma_start3A_259, %dma_start3A_260] : memref<8x32xi32, #tpu.memory_space<vmem>> -> memref<1x32xi32, #tpu.memory_space<vmem>>
    %dma_start3A_262 = tpu.memref_squeeze %dma_start3A_261 : memref<1x32xi32, #tpu.memory_space<vmem>> -> memref<32xi32, #tpu.memory_space<vmem>>
    %dma_start3A_263 = arith.constant 0 : i32
    %dma_start3A_264 = arith.constant 0 : i32
    %dma_start3A_265 = tpu.memref_slice %arg3[%dma_start3A_263, %dma_start3A_264] : memref<1000x896xf32, #tpu.memory_space<hbm>> -> memref<1000x896xf32, #tpu.memory_space<hbm>>
    tpu.enqueue_indirect_dma source(%dma_start3A_265 : memref<1000x896xf32, #tpu.memory_space<hbm>>) target(%arg9 : memref<32x896xf32, #tpu.memory_space<vmem>>) offsets(%dma_start3A_262 : memref<32xi32, #tpu.memory_space<vmem>>) semaphore(%arg16 : memref<!tpu.dma_semaphore, #tpu.memory_space<semaphore_mem>>)
    %dma_start3A_266 = arith.constant 6 : i32
    %dma_start3A_267 = arith.constant 0 : i32
    %dma_start3A_268 = tpu.memref_slice %arg8[%dma_start3A_266, %dma_start3A_267] : memref<8x32xi32, #tpu.memory_space<vmem>> -> memref<1x32xi32, #tpu.memory_space<vmem>>
    %dma_start3A_269 = tpu.memref_squeeze %dma_start3A_268 : memref<1x32xi32, #tpu.memory_space<vmem>> -> memref<32xi32, #tpu.memory_space<vmem>>
    %dma_start3A_270 = arith.constant 0 : i32
    %dma_start3A_271 = arith.constant 0 : i32
    %dma_start3A_272 = tpu.memref_slice %arg4[%dma_start3A_270, %dma_start3A_271] : memref<1000x128xf32, #tpu.memory_space<hbm>> -> memref<1000x128xf32, #tpu.memory_space<hbm>>
    tpu.enqueue_indirect_dma source(%dma_start3A_272 : memref<1000x128xf32, #tpu.memory_space<hbm>>) target(%arg12 : memref<32x128xf32, #tpu.memory_space<vmem>>) offsets(%dma_start3A_269 : memref<32xi32, #tpu.memory_space<vmem>>) semaphore(%arg16 : memref<!tpu.dma_semaphore, #tpu.memory_space<semaphore_mem>>)
    %dma_wait3A_273 = arith.constant 5 : i32
    %dma_wait3A_274 = arith.constant 0 : i32
    %dma_wait3A_275 = tpu.memref_slice %arg8[%dma_wait3A_273, %dma_wait3A_274] : memref<8x32xi32, #tpu.memory_space<vmem>> -> memref<1x32xi32, #tpu.memory_space<vmem>>
    %dma_wait3A_276 = tpu.memref_squeeze %dma_wait3A_275 : memref<1x32xi32, #tpu.memory_space<vmem>> -> memref<32xi32, #tpu.memory_space<vmem>>
    %dma_wait3A_277 = arith.constant 0 : i32
    %dma_wait3A_278 = arith.constant 0 : i32
    %dma_wait3A_279 = tpu.memref_slice %arg3[%dma_wait3A_277, %dma_wait3A_278] : memref<1000x896xf32, #tpu.memory_space<hbm>> -> memref<1000x896xf32, #tpu.memory_space<hbm>>
    tpu.wait_indirect_dma semaphore(%arg18 : memref<!tpu.dma_semaphore, #tpu.memory_space<semaphore_mem>>) src(%dma_wait3A_279 : memref<1000x896xf32, #tpu.memory_space<hbm>>) dst(%arg11 : memref<32x896xf32, #tpu.memory_space<vmem>>)
    %dma_wait3A_280 = arith.constant 5 : i32
    %dma_wait3A_281 = arith.constant 0 : i32
    %dma_wait3A_282 = tpu.memref_slice %arg8[%dma_wait3A_280, %dma_wait3A_281] : memref<8x32xi32, #tpu.memory_space<vmem>> -> memref<1x32xi32, #tpu.memory_space<vmem>>
    %dma_wait3A_283 = tpu.memref_squeeze %dma_wait3A_282 : memref<1x32xi32, #tpu.memory_space<vmem>> -> memref<32xi32, #tpu.memory_space<vmem>>
    %dma_wait3A_284 = arith.constant 0 : i32
    %dma_wait3A_285 = arith.constant 0 : i32
    %dma_wait3A_286 = tpu.memref_slice %arg4[%dma_wait3A_284, %dma_wait3A_285] : memref<1000x128xf32, #tpu.memory_space<hbm>> -> memref<1000x128xf32, #tpu.memory_space<hbm>>
    tpu.wait_indirect_dma semaphore(%arg18 : memref<!tpu.dma_semaphore, #tpu.memory_space<semaphore_mem>>) src(%dma_wait3A_286 : memref<1000x128xf32, #tpu.memory_space<hbm>>) dst(%arg14 : memref<32x128xf32, #tpu.memory_space<vmem>>)
    %add3A_287 = arith.constant 16 : i32
    %add3A_288 = arith.addi %mul3A_2, %add3A_287 : i32
    %add3A_289 = arith.constant 160 : i32
    %add3A_290 = arith.addi %add3A_288, %add3A_289 : i32
    %dma_start3A_291 = arith.constant 0 : i32
    %dma_start3A_292 = tpu.memref_slice %arg6[%add3A_290, %dma_start3A_291] : memref<8704x1000xf32, #tpu.memory_space<hbm>> -> memref<32x896xf32, #tpu.memory_space<hbm>>
    %dma_start3A_293 = arith.constant 0 : i32
    %dma_start3A_294 = tpu.memref_slice %arg6[%add3A_290, %dma_start3A_293] : memref<8704x1000xf32, #tpu.memory_space<hbm>> -> memref<32x896xf32, #tpu.memory_space<hbm>>
    tpu.enqueue_dma source(%arg11 : memref<32x896xf32, #tpu.memory_space<vmem>>) target(%dma_start3A_294 : memref<32x896xf32, #tpu.memory_space<hbm>>) target_semaphore(%arg21 : memref<!tpu.dma_semaphore, #tpu.memory_space<semaphore_mem>>)
    %add3A_295 = arith.constant 160 : i32
    %add3A_296 = arith.addi %mul3A_4, %add3A_295 : i32
    %dma_start3A_297 = arith.constant 0 : i32
    %dma_start3A_298 = tpu.memref_slice %arg7[%add3A_296, %dma_start3A_297] : memref<8192x128xf32, #tpu.memory_space<hbm>> -> memref<32x128xf32, #tpu.memory_space<hbm>>
    %dma_start3A_299 = arith.constant 0 : i32
    %dma_start3A_300 = tpu.memref_slice %arg7[%add3A_296, %dma_start3A_299] : memref<8192x128xf32, #tpu.memory_space<hbm>> -> memref<32x128xf32, #tpu.memory_space<hbm>>
    tpu.enqueue_dma source(%arg14 : memref<32x128xf32, #tpu.memory_space<vmem>>) target(%dma_start3A_300 : memref<32x128xf32, #tpu.memory_space<hbm>>) target_semaphore(%arg21 : memref<!tpu.dma_semaphore, #tpu.memory_space<semaphore_mem>>)
    %dma_wait3A_301 = arith.constant 0 : i32
    %dma_wait3A_302 = tpu.memref_slice %arg6[%add3A_240, %dma_wait3A_301] : memref<8704x1000xf32, #tpu.memory_space<hbm>> -> memref<32x896xf32, #tpu.memory_space<hbm>>
    %dma_wait3A_303 = arith.constant 0 : i32
    %dma_wait3A_304 = tpu.memref_slice %arg6[%add3A_240, %dma_wait3A_303] : memref<8704x1000xf32, #tpu.memory_space<hbm>> -> memref<32x896xf32, #tpu.memory_space<hbm>>
    tpu.wait_dma2 semaphore(%arg20 : memref<!tpu.dma_semaphore, #tpu.memory_space<semaphore_mem>>) src(%arg10 : memref<32x896xf32, #tpu.memory_space<vmem>>) dst(%dma_wait3A_304 : memref<32x896xf32, #tpu.memory_space<hbm>>)
    %dma_wait3A_305 = arith.constant 0 : i32
    %dma_wait3A_306 = tpu.memref_slice %arg7[%add3A_246, %dma_wait3A_305] : memref<8192x128xf32, #tpu.memory_space<hbm>> -> memref<32x128xf32, #tpu.memory_space<hbm>>
    %dma_wait3A_307 = arith.constant 0 : i32
    %dma_wait3A_308 = tpu.memref_slice %arg7[%add3A_246, %dma_wait3A_307] : memref<8192x128xf32, #tpu.memory_space<hbm>> -> memref<32x128xf32, #tpu.memory_space<hbm>>
    tpu.wait_dma2 semaphore(%arg20 : memref<!tpu.dma_semaphore, #tpu.memory_space<semaphore_mem>>) src(%arg13 : memref<32x128xf32, #tpu.memory_space<vmem>>) dst(%dma_wait3A_308 : memref<32x128xf32, #tpu.memory_space<hbm>>)
    %dma_start3A_309 = arith.constant 7 : i32
    %dma_start3A_310 = arith.constant 0 : i32
    %dma_start3A_311 = tpu.memref_slice %arg8[%dma_start3A_309, %dma_start3A_310] : memref<8x32xi32, #tpu.memory_space<vmem>> -> memref<1x32xi32, #tpu.memory_space<vmem>>
    %dma_start3A_312 = tpu.memref_squeeze %dma_start3A_311 : memref<1x32xi32, #tpu.memory_space<vmem>> -> memref<32xi32, #tpu.memory_space<vmem>>
    %dma_start3A_313 = arith.constant 0 : i32
    %dma_start3A_314 = arith.constant 0 : i32
    %dma_start3A_315 = tpu.memref_slice %arg3[%dma_start3A_313, %dma_start3A_314] : memref<1000x896xf32, #tpu.memory_space<hbm>> -> memref<1000x896xf32, #tpu.memory_space<hbm>>
    tpu.enqueue_indirect_dma source(%dma_start3A_315 : memref<1000x896xf32, #tpu.memory_space<hbm>>) target(%arg10 : memref<32x896xf32, #tpu.memory_space<vmem>>) offsets(%dma_start3A_312 : memref<32xi32, #tpu.memory_space<vmem>>) semaphore(%arg17 : memref<!tpu.dma_semaphore, #tpu.memory_space<semaphore_mem>>)
    %dma_start3A_316 = arith.constant 7 : i32
    %dma_start3A_317 = arith.constant 0 : i32
    %dma_start3A_318 = tpu.memref_slice %arg8[%dma_start3A_316, %dma_start3A_317] : memref<8x32xi32, #tpu.memory_space<vmem>> -> memref<1x32xi32, #tpu.memory_space<vmem>>
    %dma_start3A_319 = tpu.memref_squeeze %dma_start3A_318 : memref<1x32xi32, #tpu.memory_space<vmem>> -> memref<32xi32, #tpu.memory_space<vmem>>
    %dma_start3A_320 = arith.constant 0 : i32
    %dma_start3A_321 = arith.constant 0 : i32
    %dma_start3A_322 = tpu.memref_slice %arg4[%dma_start3A_320, %dma_start3A_321] : memref<1000x128xf32, #tpu.memory_space<hbm>> -> memref<1000x128xf32, #tpu.memory_space<hbm>>
    tpu.enqueue_indirect_dma source(%dma_start3A_322 : memref<1000x128xf32, #tpu.memory_space<hbm>>) target(%arg13 : memref<32x128xf32, #tpu.memory_space<vmem>>) offsets(%dma_start3A_319 : memref<32xi32, #tpu.memory_space<vmem>>) semaphore(%arg17 : memref<!tpu.dma_semaphore, #tpu.memory_space<semaphore_mem>>)
    %dma_wait3A_323 = arith.constant 6 : i32
    %dma_wait3A_324 = arith.constant 0 : i32
    %dma_wait3A_325 = tpu.memref_slice %arg8[%dma_wait3A_323, %dma_wait3A_324] : memref<8x32xi32, #tpu.memory_space<vmem>> -> memref<1x32xi32, #tpu.memory_space<vmem>>
    %dma_wait3A_326 = tpu.memref_squeeze %dma_wait3A_325 : memref<1x32xi32, #tpu.memory_space<vmem>> -> memref<32xi32, #tpu.memory_space<vmem>>
    %dma_wait3A_327 = arith.constant 0 : i32
    %dma_wait3A_328 = arith.constant 0 : i32
    %dma_wait3A_329 = tpu.memref_slice %arg3[%dma_wait3A_327, %dma_wait3A_328] : memref<1000x896xf32, #tpu.memory_space<hbm>> -> memref<1000x896xf32, #tpu.memory_space<hbm>>
    tpu.wait_indirect_dma semaphore(%arg16 : memref<!tpu.dma_semaphore, #tpu.memory_space<semaphore_mem>>) src(%dma_wait3A_329 : memref<1000x896xf32, #tpu.memory_space<hbm>>) dst(%arg9 : memref<32x896xf32, #tpu.memory_space<vmem>>)
    %dma_wait3A_330 = arith.constant 6 : i32
    %dma_wait3A_331 = arith.constant 0 : i32
    %dma_wait3A_332 = tpu.memref_slice %arg8[%dma_wait3A_330, %dma_wait3A_331] : memref<8x32xi32, #tpu.memory_space<vmem>> -> memref<1x32xi32, #tpu.memory_space<vmem>>
    %dma_wait3A_333 = tpu.memref_squeeze %dma_wait3A_332 : memref<1x32xi32, #tpu.memory_space<vmem>> -> memref<32xi32, #tpu.memory_space<vmem>>
    %dma_wait3A_334 = arith.constant 0 : i32
    %dma_wait3A_335 = arith.constant 0 : i32
    %dma_wait3A_336 = tpu.memref_slice %arg4[%dma_wait3A_334, %dma_wait3A_335] : memref<1000x128xf32, #tpu.memory_space<hbm>> -> memref<1000x128xf32, #tpu.memory_space<hbm>>
    tpu.wait_indirect_dma semaphore(%arg16 : memref<!tpu.dma_semaphore, #tpu.memory_space<semaphore_mem>>) src(%dma_wait3A_336 : memref<1000x128xf32, #tpu.memory_space<hbm>>) dst(%arg12 : memref<32x128xf32, #tpu.memory_space<vmem>>)
    %add3A_337 = arith.constant 16 : i32
    %add3A_338 = arith.addi %mul3A_2, %add3A_337 : i32
    %add3A_339 = arith.constant 192 : i32
    %add3A_340 = arith.addi %add3A_338, %add3A_339 : i32
    %dma_start3A_341 = arith.constant 0 : i32
    %dma_start3A_342 = tpu.memref_slice %arg6[%add3A_340, %dma_start3A_341] : memref<8704x1000xf32, #tpu.memory_space<hbm>> -> memref<32x896xf32, #tpu.memory_space<hbm>>
    %dma_start3A_343 = arith.constant 0 : i32
    %dma_start3A_344 = tpu.memref_slice %arg6[%add3A_340, %dma_start3A_343] : memref<8704x1000xf32, #tpu.memory_space<hbm>> -> memref<32x896xf32, #tpu.memory_space<hbm>>
    tpu.enqueue_dma source(%arg9 : memref<32x896xf32, #tpu.memory_space<vmem>>) target(%dma_start3A_344 : memref<32x896xf32, #tpu.memory_space<hbm>>) target_semaphore(%arg19 : memref<!tpu.dma_semaphore, #tpu.memory_space<semaphore_mem>>)
    %add3A_345 = arith.constant 192 : i32
    %add3A_346 = arith.addi %mul3A_4, %add3A_345 : i32
    %dma_start3A_347 = arith.constant 0 : i32
    %dma_start3A_348 = tpu.memref_slice %arg7[%add3A_346, %dma_start3A_347] : memref<8192x128xf32, #tpu.memory_space<hbm>> -> memref<32x128xf32, #tpu.memory_space<hbm>>
    %dma_start3A_349 = arith.constant 0 : i32
    %dma_start3A_350 = tpu.memref_slice %arg7[%add3A_346, %dma_start3A_349] : memref<8192x128xf32, #tpu.memory_space<hbm>> -> memref<32x128xf32, #tpu.memory_space<hbm>>
    tpu.enqueue_dma source(%arg12 : memref<32x128xf32, #tpu.memory_space<vmem>>) target(%dma_start3A_350 : memref<32x128xf32, #tpu.memory_space<hbm>>) target_semaphore(%arg19 : memref<!tpu.dma_semaphore, #tpu.memory_space<semaphore_mem>>)
    %dma_wait3A_351 = arith.constant 7 : i32
    %dma_wait3A_352 = arith.constant 0 : i32
    %dma_wait3A_353 = tpu.memref_slice %arg8[%dma_wait3A_351, %dma_wait3A_352] : memref<8x32xi32, #tpu.memory_space<vmem>> -> memref<1x32xi32, #tpu.memory_space<vmem>>
    %dma_wait3A_354 = tpu.memref_squeeze %dma_wait3A_353 : memref<1x32xi32, #tpu.memory_space<vmem>> -> memref<32xi32, #tpu.memory_space<vmem>>
    %dma_wait3A_355 = arith.constant 0 : i32
    %dma_wait3A_356 = arith.constant 0 : i32
    %dma_wait3A_357 = tpu.memref_slice %arg3[%dma_wait3A_355, %dma_wait3A_356] : memref<1000x896xf32, #tpu.memory_space<hbm>> -> memref<1000x896xf32, #tpu.memory_space<hbm>>
    tpu.wait_indirect_dma semaphore(%arg17 : memref<!tpu.dma_semaphore, #tpu.memory_space<semaphore_mem>>) src(%dma_wait3A_357 : memref<1000x896xf32, #tpu.memory_space<hbm>>) dst(%arg10 : memref<32x896xf32, #tpu.memory_space<vmem>>)
    %dma_wait3A_358 = arith.constant 7 : i32
    %dma_wait3A_359 = arith.constant 0 : i32
    %dma_wait3A_360 = tpu.memref_slice %arg8[%dma_wait3A_358, %dma_wait3A_359] : memref<8x32xi32, #tpu.memory_space<vmem>> -> memref<1x32xi32, #tpu.memory_space<vmem>>
    %dma_wait3A_361 = tpu.memref_squeeze %dma_wait3A_360 : memref<1x32xi32, #tpu.memory_space<vmem>> -> memref<32xi32, #tpu.memory_space<vmem>>
    %dma_wait3A_362 = arith.constant 0 : i32
    %dma_wait3A_363 = arith.constant 0 : i32
    %dma_wait3A_364 = tpu.memref_slice %arg4[%dma_wait3A_362, %dma_wait3A_363] : memref<1000x128xf32, #tpu.memory_space<hbm>> -> memref<1000x128xf32, #tpu.memory_space<hbm>>
    tpu.wait_indirect_dma semaphore(%arg17 : memref<!tpu.dma_semaphore, #tpu.memory_space<semaphore_mem>>) src(%dma_wait3A_364 : memref<1000x128xf32, #tpu.memory_space<hbm>>) dst(%arg13 : memref<32x128xf32, #tpu.memory_space<vmem>>)
    %add3A_365 = arith.constant 16 : i32
    %add3A_366 = arith.addi %mul3A_2, %add3A_365 : i32
    %add3A_367 = arith.constant 224 : i32
    %add3A_368 = arith.addi %add3A_366, %add3A_367 : i32
    %dma_start3A_369 = arith.constant 0 : i32
    %dma_start3A_370 = tpu.memref_slice %arg6[%add3A_368, %dma_start3A_369] : memref<8704x1000xf32, #tpu.memory_space<hbm>> -> memref<32x896xf32, #tpu.memory_space<hbm>>
    %dma_start3A_371 = arith.constant 0 : i32
    %dma_start3A_372 = tpu.memref_slice %arg6[%add3A_368, %dma_start3A_371] : memref<8704x1000xf32, #tpu.memory_space<hbm>> -> memref<32x896xf32, #tpu.memory_space<hbm>>
    tpu.enqueue_dma source(%arg10 : memref<32x896xf32, #tpu.memory_space<vmem>>) target(%dma_start3A_372 : memref<32x896xf32, #tpu.memory_space<hbm>>) target_semaphore(%arg20 : memref<!tpu.dma_semaphore, #tpu.memory_space<semaphore_mem>>)
    %add3A_373 = arith.constant 224 : i32
    %add3A_374 = arith.addi %mul3A_4, %add3A_373 : i32
    %dma_start3A_375 = arith.constant 0 : i32
    %dma_start3A_376 = tpu.memref_slice %arg7[%add3A_374, %dma_start3A_375] : memref<8192x128xf32, #tpu.memory_space<hbm>> -> memref<32x128xf32, #tpu.memory_space<hbm>>
    %dma_start3A_377 = arith.constant 0 : i32
    %dma_start3A_378 = tpu.memref_slice %arg7[%add3A_374, %dma_start3A_377] : memref<8192x128xf32, #tpu.memory_space<hbm>> -> memref<32x128xf32, #tpu.memory_space<hbm>>
    tpu.enqueue_dma source(%arg13 : memref<32x128xf32, #tpu.memory_space<vmem>>) target(%dma_start3A_378 : memref<32x128xf32, #tpu.memory_space<hbm>>) target_semaphore(%arg20 : memref<!tpu.dma_semaphore, #tpu.memory_space<semaphore_mem>>)
    %dma_wait3A_379 = arith.constant 0 : i32
    %dma_wait3A_380 = tpu.memref_slice %arg6[%add3A_290, %dma_wait3A_379] : memref<8704x1000xf32, #tpu.memory_space<hbm>> -> memref<32x896xf32, #tpu.memory_space<hbm>>
    %dma_wait3A_381 = arith.constant 0 : i32
    %dma_wait3A_382 = tpu.memref_slice %arg6[%add3A_290, %dma_wait3A_381] : memref<8704x1000xf32, #tpu.memory_space<hbm>> -> memref<32x896xf32, #tpu.memory_space<hbm>>
    tpu.wait_dma2 semaphore(%arg21 : memref<!tpu.dma_semaphore, #tpu.memory_space<semaphore_mem>>) src(%arg11 : memref<32x896xf32, #tpu.memory_space<vmem>>) dst(%dma_wait3A_382 : memref<32x896xf32, #tpu.memory_space<hbm>>)
    %dma_wait3A_383 = arith.constant 0 : i32
    %dma_wait3A_384 = tpu.memref_slice %arg7[%add3A_296, %dma_wait3A_383] : memref<8192x128xf32, #tpu.memory_space<hbm>> -> memref<32x128xf32, #tpu.memory_space<hbm>>
    %dma_wait3A_385 = arith.constant 0 : i32
    %dma_wait3A_386 = tpu.memref_slice %arg7[%add3A_296, %dma_wait3A_385] : memref<8192x128xf32, #tpu.memory_space<hbm>> -> memref<32x128xf32, #tpu.memory_space<hbm>>
    tpu.wait_dma2 semaphore(%arg21 : memref<!tpu.dma_semaphore, #tpu.memory_space<semaphore_mem>>) src(%arg14 : memref<32x128xf32, #tpu.memory_space<vmem>>) dst(%dma_wait3A_386 : memref<32x128xf32, #tpu.memory_space<hbm>>)
    %dma_wait3A_387 = arith.constant 0 : i32
    %dma_wait3A_388 = tpu.memref_slice %arg6[%add3A_340, %dma_wait3A_387] : memref<8704x1000xf32, #tpu.memory_space<hbm>> -> memref<32x896xf32, #tpu.memory_space<hbm>>
    %dma_wait3A_389 = arith.constant 0 : i32
    %dma_wait3A_390 = tpu.memref_slice %arg6[%add3A_340, %dma_wait3A_389] : memref<8704x1000xf32, #tpu.memory_space<hbm>> -> memref<32x896xf32, #tpu.memory_space<hbm>>
    tpu.wait_dma2 semaphore(%arg19 : memref<!tpu.dma_semaphore, #tpu.memory_space<semaphore_mem>>) src(%arg9 : memref<32x896xf32, #tpu.memory_space<vmem>>) dst(%dma_wait3A_390 : memref<32x896xf32, #tpu.memory_space<hbm>>)
    %dma_wait3A_391 = arith.constant 0 : i32
    %dma_wait3A_392 = tpu.memref_slice %arg7[%add3A_346, %dma_wait3A_391] : memref<8192x128xf32, #tpu.memory_space<hbm>> -> memref<32x128xf32, #tpu.memory_space<hbm>>
    %dma_wait3A_393 = arith.constant 0 : i32
    %dma_wait3A_394 = tpu.memref_slice %arg7[%add3A_346, %dma_wait3A_393] : memref<8192x128xf32, #tpu.memory_space<hbm>> -> memref<32x128xf32, #tpu.memory_space<hbm>>
    tpu.wait_dma2 semaphore(%arg19 : memref<!tpu.dma_semaphore, #tpu.memory_space<semaphore_mem>>) src(%arg12 : memref<32x128xf32, #tpu.memory_space<vmem>>) dst(%dma_wait3A_394 : memref<32x128xf32, #tpu.memory_space<hbm>>)
    %dma_wait3A_395 = arith.constant 0 : i32
    %dma_wait3A_396 = tpu.memref_slice %arg6[%add3A_368, %dma_wait3A_395] : memref<8704x1000xf32, #tpu.memory_space<hbm>> -> memref<32x896xf32, #tpu.memory_space<hbm>>
    %dma_wait3A_397 = arith.constant 0 : i32
    %dma_wait3A_398 = tpu.memref_slice %arg6[%add3A_368, %dma_wait3A_397] : memref<8704x1000xf32, #tpu.memory_space<hbm>> -> memref<32x896xf32, #tpu.memory_space<hbm>>
    tpu.wait_dma2 semaphore(%arg20 : memref<!tpu.dma_semaphore, #tpu.memory_space<semaphore_mem>>) src(%arg10 : memref<32x896xf32, #tpu.memory_space<vmem>>) dst(%dma_wait3A_398 : memref<32x896xf32, #tpu.memory_space<hbm>>)
    %dma_wait3A_399 = arith.constant 0 : i32
    %dma_wait3A_400 = tpu.memref_slice %arg7[%add3A_374, %dma_wait3A_399] : memref<8192x128xf32, #tpu.memory_space<hbm>> -> memref<32x128xf32, #tpu.memory_space<hbm>>
    %dma_wait3A_401 = arith.constant 0 : i32
    %dma_wait3A_402 = tpu.memref_slice %arg7[%add3A_374, %dma_wait3A_401] : memref<8192x128xf32, #tpu.memory_space<hbm>> -> memref<32x128xf32, #tpu.memory_space<hbm>>
    tpu.wait_dma2 semaphore(%arg20 : memref<!tpu.dma_semaphore, #tpu.memory_space<semaphore_mem>>) src(%arg13 : memref<32x128xf32, #tpu.memory_space<vmem>>) dst(%dma_wait3A_402 : memref<32x128xf32, #tpu.memory_space<hbm>>)
    return
  }
}

module attributes {stable_mosaic.version = 14 : i64} {
  func.func @body(%arg0: memref<16x1xf32, #tpu.memory_space<vmem>>, %arg1: memref<1x256xf32, #tpu.memory_space<vmem>>, %arg2: memref<16x256xf32, #tpu.memory_space<vmem>>, %arg3: memref<256x1000xf32, #tpu.memory_space<vmem>>, %arg4: memref<1000xf32, #tpu.memory_space<vmem>>, %arg5: memref<16x1000xf32, #tpu.memory_space<vmem>>) attributes {dimension_semantics = [], scalar_prefetch = 0 : i64, scratch_operands = 0 : i64, tpu.core_type = #tpu.core_type<tc>} {
    %get3A = arith.constant 0 : index
    %get3A_0 = arith.constant 0 : index
    %get3A_1 = vector.load %arg0[%get3A, %get3A_0] : memref<16x1xf32, #tpu.memory_space<vmem>>, vector<16x1xf32>
    %get3A_2 = arith.constant 0 : index
    %get3A_3 = arith.constant 0 : index
    %get3A_4 = vector.load %arg1[%get3A_2, %get3A_3] : memref<1x256xf32, #tpu.memory_space<vmem>>, vector<1x256xf32>
    %mul3A = vector.broadcast %get3A_1 : vector<16x1xf32> to vector<16x256xf32>
    %mul3A_5 = vector.broadcast %get3A_4 : vector<1x256xf32> to vector<16x256xf32>
    %mul3A_6 = arith.mulf %mul3A, %mul3A_5 : vector<16x256xf32>
    %get3A_7 = arith.constant 0 : index
    %get3A_8 = arith.constant 0 : index
    %get3A_9 = vector.load %arg2[%get3A_7, %get3A_8] : memref<16x256xf32, #tpu.memory_space<vmem>>, vector<16x256xf32>
    %mul3A_10 = arith.mulf %mul3A_6, %get3A_9 : vector<16x256xf32>
    %get3A_11 = arith.constant 0 : index
    %get3A_12 = arith.constant 0 : index
    %get3A_13 = vector.load %arg3[%get3A_11, %get3A_12] : memref<256x1000xf32, #tpu.memory_space<vmem>>, vector<256x1000xf32>
    %dot_general3A = arith.constant dense<0.000000e+00> : vector<16x1000xf32>
    %dot_general3A_14 = tpu.matmul %mul3A_10, %get3A_13, %dot_general3A {dimension_numbers = #tpu.dot_dimension_numbers<[1], [0], [0], [1], [0, 0, 1, 1], [], []>, transpose_lhs_hint = false} : vector<16x256xf32>, vector<256x1000xf32>, vector<16x1000xf32> -> vector<16x1000xf32>
    %get3A_15 = arith.constant 0 : index
    %get3A_16 = vector.load %arg4[%get3A_15] : memref<1000xf32, #tpu.memory_space<vmem>>, vector<1000xf32>
    %broadcast_in_dim3A = vector.shape_cast %get3A_16 : vector<1000xf32> to vector<1x1000xf32>
    %add3A = vector.broadcast %broadcast_in_dim3A : vector<1x1000xf32> to vector<16x1000xf32>
    %add3A_17 = arith.addf %dot_general3A_14, %add3A : vector<16x1000xf32>
    %swap3A = arith.constant 0 : index
    %swap3A_18 = arith.constant 0 : index
    %swap3A_19 = vector.load %arg5[%swap3A, %swap3A_18] : memref<16x1000xf32, #tpu.memory_space<vmem>>, vector<16x1000xf32>
    tpu.vector_store %arg5[%swap3A, %swap3A_18], %add3A_17 {strides = array<i32>} : memref<16x1000xf32, #tpu.memory_space<vmem>>, vector<16x1000xf32>,
    return
  }
}

module attributes {stable_mosaic.version = 14 : i64} {
  func.func @body(%arg0: i32, %arg1: memref<8704x1000xf32, #tpu.memory_space<any>>, %arg2: memref<2048x128xf32, #tpu.memory_space<vmem>>, %arg3: memref<16x128xf32, #tpu.memory_space<vmem>>, %arg4: memref<2176x128xf32, #tpu.memory_space<vmem>>) attributes {dimension_semantics = [#tpu.dimension_semantics<arbitrary>], iteration_bounds = array<i64: 4>, scalar_prefetch = 0 : i64, scratch_operands = 0 : i64, tpu.core_type = #tpu.core_type<tc>, window_params = [{}, {transform_indices = @transform_1, window_bounds = array<i64: 2048, 128>}, {transform_indices = @transform_2, window_bounds = array<i64: 16, 128>}, {transform_indices = @transform_3, window_bounds = array<i64: 2176, 128>}]} {
    %get3A = arith.constant 0 : index
    %get3A_0 = arith.constant 0 : index
    %get3A_1 = vector.load %arg3[%get3A, %get3A_0] : memref<16x128xf32, #tpu.memory_space<vmem>>, vector<16x128xf32>
    %swap3A = arith.constant 0 : index
    %swap3A_2 = arith.constant 0 : index
    %swap3A_3 = vector.load %arg4[%swap3A, %swap3A_2] : memref<2176x128xf32, #tpu.memory_space<vmem>>, vector<16x128xf32>
    tpu.vector_store %arg4[%swap3A, %swap3A_2], %get3A_1 {strides = array<i32>} : memref<2176x128xf32, #tpu.memory_space<vmem>>, vector<16x128xf32>,
    %get3A_4 = arith.constant 0 : index
    %get3A_5 = arith.constant 0 : index
    %get3A_6 = vector.load %arg2[%get3A_4, %get3A_5] : memref<2048x128xf32, #tpu.memory_space<vmem>>, vector<256x128xf32>
    %swap3A_7 = arith.constant 16 : index
    %swap3A_8 = arith.constant 0 : index
    %swap3A_9 = vector.load %arg4[%swap3A_7, %swap3A_8] : memref<2176x128xf32, #tpu.memory_space<vmem>>, vector<256x128xf32>
    tpu.vector_store %arg4[%swap3A_7, %swap3A_8], %get3A_6 {strides = array<i32>} : memref<2176x128xf32, #tpu.memory_space<vmem>>, vector<256x128xf32>,
    %get3A_10 = arith.constant 0 : index
    %get3A_11 = arith.constant 0 : index
    %get3A_12 = vector.load %arg3[%get3A_10, %get3A_11] : memref<16x128xf32, #tpu.memory_space<vmem>>, vector<16x128xf32>
    %swap3A_13 = arith.constant 272 : index
    %swap3A_14 = arith.constant 0 : index
    %swap3A_15 = vector.load %arg4[%swap3A_13, %swap3A_14] : memref<2176x128xf32, #tpu.memory_space<vmem>>, vector<16x128xf32>
    tpu.vector_store %arg4[%swap3A_13, %swap3A_14], %get3A_12 {strides = array<i32>} : memref<2176x128xf32, #tpu.memory_space<vmem>>, vector<16x128xf32>,
    %get3A_16 = arith.constant 256 : index
    %get3A_17 = arith.constant 0 : index
    %get3A_18 = vector.load %arg2[%get3A_16, %get3A_17] : memref<2048x128xf32, #tpu.memory_space<vmem>>, vector<256x128xf32>
    %swap3A_19 = arith.constant 288 : index
    %swap3A_20 = arith.constant 0 : index
    %swap3A_21 = vector.load %arg4[%swap3A_19, %swap3A_20] : memref<2176x128xf32, #tpu.memory_space<vmem>>, vector<256x128xf32>
    tpu.vector_store %arg4[%swap3A_19, %swap3A_20], %get3A_18 {strides = array<i32>} : memref<2176x128xf32, #tpu.memory_space<vmem>>, vector<256x128xf32>,
    %get3A_22 = arith.constant 0 : index
    %get3A_23 = arith.constant 0 : index
    %get3A_24 = vector.load %arg3[%get3A_22, %get3A_23] : memref<16x128xf32, #tpu.memory_space<vmem>>, vector<16x128xf32>
    %swap3A_25 = arith.constant 544 : index
    %swap3A_26 = arith.constant 0 : index
    %swap3A_27 = vector.load %arg4[%swap3A_25, %swap3A_26] : memref<2176x128xf32, #tpu.memory_space<vmem>>, vector<16x128xf32>
    tpu.vector_store %arg4[%swap3A_25, %swap3A_26], %get3A_24 {strides = array<i32>} : memref<2176x128xf32, #tpu.memory_space<vmem>>, vector<16x128xf32>,
    %get3A_28 = arith.constant 512 : index
    %get3A_29 = arith.constant 0 : index
    %get3A_30 = vector.load %arg2[%get3A_28, %get3A_29] : memref<2048x128xf32, #tpu.memory_space<vmem>>, vector<256x128xf32>
    %swap3A_31 = arith.constant 560 : index
    %swap3A_32 = arith.constant 0 : index
    %swap3A_33 = vector.load %arg4[%swap3A_31, %swap3A_32] : memref<2176x128xf32, #tpu.memory_space<vmem>>, vector<256x128xf32>
    tpu.vector_store %arg4[%swap3A_31, %swap3A_32], %get3A_30 {strides = array<i32>} : memref<2176x128xf32, #tpu.memory_space<vmem>>, vector<256x128xf32>,
    %get3A_34 = arith.constant 0 : index
    %get3A_35 = arith.constant 0 : index
    %get3A_36 = vector.load %arg3[%get3A_34, %get3A_35] : memref<16x128xf32, #tpu.memory_space<vmem>>, vector<16x128xf32>
    %swap3A_37 = arith.constant 816 : index
    %swap3A_38 = arith.constant 0 : index
    %swap3A_39 = vector.load %arg4[%swap3A_37, %swap3A_38] : memref<2176x128xf32, #tpu.memory_space<vmem>>, vector<16x128xf32>
    tpu.vector_store %arg4[%swap3A_37, %swap3A_38], %get3A_36 {strides = array<i32>} : memref<2176x128xf32, #tpu.memory_space<vmem>>, vector<16x128xf32>,
    %get3A_40 = arith.constant 768 : index
    %get3A_41 = arith.constant 0 : index
    %get3A_42 = vector.load %arg2[%get3A_40, %get3A_41] : memref<2048x128xf32, #tpu.memory_space<vmem>>, vector<256x128xf32>
    %swap3A_43 = arith.constant 832 : index
    %swap3A_44 = arith.constant 0 : index
    %swap3A_45 = vector.load %arg4[%swap3A_43, %swap3A_44] : memref<2176x128xf32, #tpu.memory_space<vmem>>, vector<256x128xf32>
    tpu.vector_store %arg4[%swap3A_43, %swap3A_44], %get3A_42 {strides = array<i32>} : memref<2176x128xf32, #tpu.memory_space<vmem>>, vector<256x128xf32>,
    %get3A_46 = arith.constant 0 : index
    %get3A_47 = arith.constant 0 : index
    %get3A_48 = vector.load %arg3[%get3A_46, %get3A_47] : memref<16x128xf32, #tpu.memory_space<vmem>>, vector<16x128xf32>
    %swap3A_49 = arith.constant 1088 : index
    %swap3A_50 = arith.constant 0 : index
    %swap3A_51 = vector.load %arg4[%swap3A_49, %swap3A_50] : memref<2176x128xf32, #tpu.memory_space<vmem>>, vector<16x128xf32>
    tpu.vector_store %arg4[%swap3A_49, %swap3A_50], %get3A_48 {strides = array<i32>} : memref<2176x128xf32, #tpu.memory_space<vmem>>, vector<16x128xf32>,
    %get3A_52 = arith.constant 1024 : index
    %get3A_53 = arith.constant 0 : index
    %get3A_54 = vector.load %arg2[%get3A_52, %get3A_53] : memref<2048x128xf32, #tpu.memory_space<vmem>>, vector<256x128xf32>
    %swap3A_55 = arith.constant 1104 : index
    %swap3A_56 = arith.constant 0 : index
    %swap3A_57 = vector.load %arg4[%swap3A_55, %swap3A_56] : memref<2176x128xf32, #tpu.memory_space<vmem>>, vector<256x128xf32>
    tpu.vector_store %arg4[%swap3A_55, %swap3A_56], %get3A_54 {strides = array<i32>} : memref<2176x128xf32, #tpu.memory_space<vmem>>, vector<256x128xf32>,
    %get3A_58 = arith.constant 0 : index
    %get3A_59 = arith.constant 0 : index
    %get3A_60 = vector.load %arg3[%get3A_58, %get3A_59] : memref<16x128xf32, #tpu.memory_space<vmem>>, vector<16x128xf32>
    %swap3A_61 = arith.constant 1360 : index
    %swap3A_62 = arith.constant 0 : index
    %swap3A_63 = vector.load %arg4[%swap3A_61, %swap3A_62] : memref<2176x128xf32, #tpu.memory_space<vmem>>, vector<16x128xf32>
    tpu.vector_store %arg4[%swap3A_61, %swap3A_62], %get3A_60 {strides = array<i32>} : memref<2176x128xf32, #tpu.memory_space<vmem>>, vector<16x128xf32>,
    %get3A_64 = arith.constant 1280 : index
    %get3A_65 = arith.constant 0 : index
    %get3A_66 = vector.load %arg2[%get3A_64, %get3A_65] : memref<2048x128xf32, #tpu.memory_space<vmem>>, vector<256x128xf32>
    %swap3A_67 = arith.constant 1376 : index
    %swap3A_68 = arith.constant 0 : index
    %swap3A_69 = vector.load %arg4[%swap3A_67, %swap3A_68] : memref<2176x128xf32, #tpu.memory_space<vmem>>, vector<256x128xf32>
    tpu.vector_store %arg4[%swap3A_67, %swap3A_68], %get3A_66 {strides = array<i32>} : memref<2176x128xf32, #tpu.memory_space<vmem>>, vector<256x128xf32>,
    %get3A_70 = arith.constant 0 : index
    %get3A_71 = arith.constant 0 : index
    %get3A_72 = vector.load %arg3[%get3A_70, %get3A_71] : memref<16x128xf32, #tpu.memory_space<vmem>>, vector<16x128xf32>
    %swap3A_73 = arith.constant 1632 : index
    %swap3A_74 = arith.constant 0 : index
    %swap3A_75 = vector.load %arg4[%swap3A_73, %swap3A_74] : memref<2176x128xf32, #tpu.memory_space<vmem>>, vector<16x128xf32>
    tpu.vector_store %arg4[%swap3A_73, %swap3A_74], %get3A_72 {strides = array<i32>} : memref<2176x128xf32, #tpu.memory_space<vmem>>, vector<16x128xf32>,
    %get3A_76 = arith.constant 1536 : index
    %get3A_77 = arith.constant 0 : index
    %get3A_78 = vector.load %arg2[%get3A_76, %get3A_77] : memref<2048x128xf32, #tpu.memory_space<vmem>>, vector<256x128xf32>
    %swap3A_79 = arith.constant 1648 : index
    %swap3A_80 = arith.constant 0 : index
    %swap3A_81 = vector.load %arg4[%swap3A_79, %swap3A_80] : memref<2176x128xf32, #tpu.memory_space<vmem>>, vector<256x128xf32>
    tpu.vector_store %arg4[%swap3A_79, %swap3A_80], %get3A_78 {strides = array<i32>} : memref<2176x128xf32, #tpu.memory_space<vmem>>, vector<256x128xf32>,
    %get3A_82 = arith.constant 0 : index
    %get3A_83 = arith.constant 0 : index
    %get3A_84 = vector.load %arg3[%get3A_82, %get3A_83] : memref<16x128xf32, #tpu.memory_space<vmem>>, vector<16x128xf32>
    %swap3A_85 = arith.constant 1904 : index
    %swap3A_86 = arith.constant 0 : index
    %swap3A_87 = vector.load %arg4[%swap3A_85, %swap3A_86] : memref<2176x128xf32, #tpu.memory_space<vmem>>, vector<16x128xf32>
    tpu.vector_store %arg4[%swap3A_85, %swap3A_86], %get3A_84 {strides = array<i32>} : memref<2176x128xf32, #tpu.memory_space<vmem>>, vector<16x128xf32>,
    %get3A_88 = arith.constant 1792 : index
    %get3A_89 = arith.constant 0 : index
    %get3A_90 = vector.load %arg2[%get3A_88, %get3A_89] : memref<2048x128xf32, #tpu.memory_space<vmem>>, vector<256x128xf32>
    %swap3A_91 = arith.constant 1920 : index
    %swap3A_92 = arith.constant 0 : index
    %swap3A_93 = vector.load %arg4[%swap3A_91, %swap3A_92] : memref<2176x128xf32, #tpu.memory_space<vmem>>, vector<256x128xf32>
    tpu.vector_store %arg4[%swap3A_91, %swap3A_92], %get3A_90 {strides = array<i32>} : memref<2176x128xf32, #tpu.memory_space<vmem>>, vector<256x128xf32>,
    return
  }
  func.func @transform_1(%arg0: i32) -> (i32, i32) {
    %c0_i32 = arith.constant 0 : i32
    %c0_i32_0 = arith.constant 0 : i32
    return %arg0, %c0_i32 : i32, i32
  }
  func.func @transform_2(%arg0: i32) -> (i32, i32) {
    %c0_i32 = arith.constant 0 : i32
    %c7_i32 = arith.constant 7 : i32
    %c0_i32_0 = arith.constant 0 : i32
    return %c0_i32, %c7_i32 : i32, i32
  }
  func.func @transform_3(%arg0: i32) -> (i32, i32) {
    %c7_i32 = arith.constant 7 : i32
    %c0_i32 = arith.constant 0 : i32
    return %arg0, %c7_i32 : i32, i32
  }
}

</mosaic_0001>

<sc_bundles>
// kernel: kernel.5.cloned.1.call-start
scs
__scs_entry_jumppad:
0x0: {  	(pc) =	sbr.rel $0x88, $3  }
0x1: {  	(tag) =	ssettag $0x0;
	lr =	simm.s32 $0x1  }
0x2: {  	[smem:$0x3F9A] =	sst lr;
	_ =	strace $0xD0000000  }
0x3: {  	_ = 	snop  }
0x4: {  	_ = 	snop  }
0x5: {  	_ = 	snop  }
0x6: {  	_ = 	snop  }
0x7: {  	_ = 	snop  }
__scs_overlays_trampoline_lowered:
0x8: {  	[smem:$0x3FA9] =	sst s0  }
0x9: {  	[smem:$0x3FAA] =	sst s1  }
0xa: {  	[smem:$0x3FAB] =	sst s2  }
0xb: {  	[smem:$0x3FAC] =	sst s3  }
0xc: {  	[smem:$0x3FAD] =	sst s4  }
0xd: {  	[smem:$0x3FAE] =	sst s5  }
0xe: {  	[smem:$0x3FAF] =	sst s6  }
0xf: {  	[smem:$0x3FB0] =	sst s7  }
0x10: {  	[smem:$0x3FB1] =	sst s8  }
0x11: {  	[smem:$0x3FB2] =	sst s9;
	s0 =	simm.s32 @!p0 $0x0  }
0x12: {  	s1 =	sld [smem:$0x3F98];
	s0 =	simm.s32 @p0 $0x1  }
0x13: {  	[smem:$0x3FB3] =	sst s0;
	s0 =	simm.s32 @!p1 $0x0  }
0x14: {  	s2 =	sld [smem:$0x3F97];
	s0 =	simm.s32 @p1 $0x1  }
0x15: {  	[smem:$0x3FB4] =	sst s0;
	s0 =	simm.s32 @!p2 $0x0  }
0x16: {  	s3 =	sld [smem:$0x3FDB];
	s0 =	simm.s32 @p2 $0x1  }
0x17: {  	s4 =	simm.s32 $0x1BF5;
	[smem:$0x3FB6] =	sst s0  }
0x18: {  	s0 =	sld [smem:$0x3F99];
	_ =	swait.ge [sflag:s4], $0x0  }
0x19: {  	s7 =	sld [smem:$0x3F9A]  }
0x1a: {  	s8 =	sadd.s32 $0xFFFFE003, lr  }
0x1b: {  	s9 =	sadd.s32 $0xFFFFFEF7, lr;
	s5 =	simm.s32 $0xFFFFFFFF;
	p2 =	slt.u32 s8, $0xFFFFF086  }
0x1c: {  	p1 =	slt.u32 s9, $0xF7A;
	s5 =	simm.s32 @!p2 $0x0  }
0x1d: {  	s5 =	simm.s32 @p1 $0x1;
	p0 =	seq.s32 s7, s2  }
0x1e: {  	s7 =	smul.u32 @!p0 $0xF7A, s2;
	p2 =	seq.s32 @!p0 s5, $0x0  }
0x1f: {  	s9 =	smul.u32 $0xF7A, s1;
	s8 =	simm.s32 @!p0 $0x1BF5;
	p2 =	por !p2, p0  }
0x20: {  	[sflag:s8] =	ssyncset.s32 @!p0 $0xFFFFF086;
	s6 =	sadd.s32 @!p0 s3, s7;
	s7 =	simm.s32 @!p0 $0x108  }
0x21: {  	s3 =	sadd.s32 s3, s9;
	s6 =	sadd.s32 @!p0 $0x88, s6;
	s7 =	simm.s32 @p2 $0x1082  }
0x22: {  	[simem:s7], [sflag:s8] =	dma.local @!p0 [hbm:s6], $0xF7A  }
0x23: {  	s9 =	sor.u32 $0xD0000000, s2;
	s6 =	simm.s32 $0x108;
	_ =	swait.ge @!p0 [sflag:s8], $0x0  }
0x24: {  	s3 =	sadd.s32 $0x88, s3;
	s6 =	simm.s32 @!p1 $0x1082;
	[sflag:s4] =	ssyncset.s32 $0xFFFFF086  }
0x25: {  	[simem:s6], [sflag:s4] =	dma.local [hbm:s3], $0xF7A  }
0x26: {  	[smem:$0x3F9A] =	sst s1;
	(tag) =	ssettag s2;
	_ =	strace s9  }
0x27: {  	s1 =	sld [smem:$0x3FAA]  }
0x28: {  	s2 =	sld [smem:$0x3FAB]  }
0x29: {  	s4 =	sld [smem:$0x3FAD]  }
0x2a: {  	p0 =	seq.s32 s5, $0x0;
	s5 =	sld [smem:$0x3FAE]  }
0x2b: {  	s6 =	sld [smem:$0x3FAF]  }
0x2c: {  	s7 =	sld [smem:$0x3FB0]  }
0x2d: {  	s3 =	simm.s32 $0x108;
	s8 =	sld [smem:$0x3FB1]  }
0x2e: {  	s3 =	simm.s32 @!p0 $0x1082;
	s9 =	sld [smem:$0x3FB2]  }
0x2f: {  	lr =	sadd.s32 s0, s3;
	s0 =	sld [smem:$0x3FA9]  }
0x30: {  	s3 =	sld [smem:$0x3FAC]  }
0x31: {  	[smem:$0x3FB5] =	sst s10  }
0x32: {  	s10 =	sld [smem:$0x3FB3];
	_ =	sdelay $0x3  }
0x33: {  	p0 =	seq.s32 s10, $0x1;
	s10 =	sld [smem:$0x3FB5];
	_ =	sdelay $0x3  }
0x34: {  	[smem:$0x3FB5] =	sst s10  }
0x35: {  	s10 =	sld [smem:$0x3FB4];
	_ =	sdelay $0x3  }
0x36: {  	p1 =	seq.s32 s10, $0x1;
	s10 =	sld [smem:$0x3FB5];
	_ =	sdelay $0x3  }
0x37: {  	[smem:$0x3FB5] =	sst s10  }
0x38: {  	s10 =	sld [smem:$0x3FB6]  }
0x39: {  	_ = 	snop;
	(pc) =	sbr.ind lr, $3  }
0x3a: {  	_ = 	snop  }
0x3b: {  	_ = 	snop  }
0x3c: {  	p2 =	seq.s32 s10, $0x1;
	s10 =	sld [smem:$0x3FB5]  }
0x3d: {  	_ =	shalt  }
0x3e: {  	_ =	shalt  }
0x3f: {  	_ =	shalt  }
0x40: {  	_ =	shalt  }
0x41: {  	_ =	shalt  }
0x42: {  	_ =	shalt  }
0x43: {  	_ =	shalt  }
0x44: {  	_ =	shalt  }
0x45: {  	_ =	shalt  }
0x46: {  	_ =	shalt  }
0x47: {  	_ =	shalt  }
0x48: {  	_ =	shalt  }
0x49: {  	_ =	shalt  }
0x4a: {  	_ =	shalt  }
0x4b: {  	_ =	shalt  }
0x4c: {  	_ =	shalt  }
0x4d: {  	_ =	shalt  }
0x4e: {  	_ =	shalt  }
0x4f: {  	_ =	shalt  }
0x50: {  	_ =	shalt  }
0x51: {  	_ =	shalt  }
0x52: {  	_ =	shalt  }
0x53: {  	_ =	shalt  }
0x54: {  	_ =	shalt  }
0x55: {  	_ =	shalt  }
0x56: {  	_ =	shalt  }
0x57: {  	_ =	shalt  }
0x58: {  	_ =	shalt  }
0x59: {  	_ =	shalt  }
0x5a: {  	_ =	shalt  }
0x5b: {  	_ =	shalt  }
0x5c: {  	_ =	shalt  }
0x5d: {  	_ =	shalt  }
0x5e: {  	_ =	shalt  }
0x5f: {  	_ =	shalt  }
0x60: {  	_ =	shalt  }
0x61: {  	_ =	shalt  }
0x62: {  	_ =	shalt  }
0x63: {  	_ =	shalt  }
0x64: {  	_ =	shalt  }
0x65: {  	_ =	shalt  }
0x66: {  	_ =	shalt  }
0x67: {  	_ =	shalt  }
0x68: {  	_ =	shalt  }
0x69: {  	_ =	shalt  }
0x6a: {  	_ =	shalt  }
0x6b: {  	_ =	shalt  }
0x6c: {  	_ =	shalt  }
0x6d: {  	_ =	shalt  }
0x6e: {  	_ =	shalt  }
0x6f: {  	_ =	shalt  }
0x70: {  	_ =	shalt  }
0x71: {  	_ =	shalt  }
0x72: {  	_ =	shalt  }
0x73: {  	_ =	shalt  }
0x74: {  	_ =	shalt  }
0x75: {  	_ =	shalt  }
0x76: {  	_ =	shalt  }
0x77: {  	_ =	shalt  }
0x78: {  	_ =	shalt  }
0x79: {  	_ =	shalt  }
0x7a: {  	_ =	shalt  }
0x7b: {  	_ =	shalt  }
0x7c: {  	_ =	shalt  }
0x7d: {  	_ =	shalt  }
0x7e: {  	_ =	shalt  }
0x7f: {  	_ =	shalt  }
0x80: {  	_ =	shalt  }
0x81: {  	_ =	shalt  }
0x82: {  	_ =	shalt  }
0x83: {  	_ =	shalt  }
0x84: {  	_ =	shalt  }
0x85: {  	_ =	shalt  }
0x86: {  	_ =	shalt  }
0x87: {  	_ =	shalt  }
.Lfunc_end0:
.L_simem_size_0:
called_computation_lowered:
.L_overlay_start_0:
0x88: {  	s2 =	sld [smem:$0x3FD9]  }
0x89: {  	s3 =	sld [smem:$0x3FFE];
	_ =	sdelay $0x1  }
0x8a: {  	s1 =	srdreg.scid  }
0x8b: {  	s0 =	sand.u32 $0x1, s1  }
0x8c: {  	s17 =	sshll.u32 s0, $0xA;
	s2 =	sadd.s32 s3, s2  }
0x8d: {  	s2 =	sadd.s32 s2, s17  }
0x8e: {  	[smem:$0x3FC1] =	sst s2  }
0x8f: {  	_ = 	snop  }
0x90: {  	s2 =	sld [smem:$0x3FD0];
	(tm) =	ssettm $0x1  }
0x91: {  	s18 =	sld [smem:$0x3FFB];
	_ =	sdelay $0x3  }
0x92: {  	_ =	strace s18  }
0x93: {  	s3 =	sld [smem:$0x3FFC];
	_ =	sdelay $0x3  }
0x94: {  	_ =	strace s3  }
0x95: {  	s3 =	sld [smem:$0x3FFD];
	_ =	sdelay $0x3  }
0x96: {  	_ =	strace s3  }
0x97: {  	_ =	strace $0x8FFFFFFF  }
0x98: {  	s19 =	sld [smem:$0x3FDB];
	_ =	sdelay $0x1  }
0x99: {  	s4 =	simm.s32 $_scs_section_size  }
0x9a: {  	s5 =	simm.s32 $_size__tile_overlayer_lowered;
	s6 =	simm.s32 $_tile_overlayer_lowered  }
0x9b: {  	s22 =	simm.s32 $0x1BFF;
	s21 =	sshll.u32 s6, $0x1;
	s3 =	sadd.s32 s4, s19  }
0x9c: {  	s7 =	simm.s32 $0x0;
	s20 =	sshll.u32 s5, $0x1;
	s5 =	sadd.s32 s21, s3  }
0x9d: {  	[timem:s7], [sflag:s22] =	dma.local [hbm:s5], s20  }
0x9e: {  	_ =	swait.ge [sflag:s22], s20  }
0x9f: {  	s4 =	ssub.s32 $0x0, s20;
	[sflag:s22] =	ssyncset.done $0x0  }
0xa0: {  	[sflag:s22] =	ssyncadd.s32 s4;
	_ =	sdelay $0x1  }
0xa1: {  	s23 =	simm.s32 $0x1B8B  }
0xa2: {  	_ =	swait.ge [sflag:s23], $0x1  }
0xa3: {  	[sflag:s23] =	ssyncset.done $0x0  }
0xa4: {  	s25 =	simm.s32 $0x1B8E;
	s24 =	sld [smem:$0x3FFE];
	[sflag:s23] =	ssyncadd.s32 $0xFFFFFFFF  }
0xa5: {  	s26 =	simm.s32 $execute0_lowered;
	[smem:$0x3FD2] =	sst s25  }
0xa6: {  	s5 =	sshll.u32 s26, $0x1;
	_ =	strace $0x80000046;
	[dreg:$0x1] =	wrdreg $0xFFFFFFFF  }
0xa7: {  	s28 =	simm.s32 $_size_execute0_lowered;
	s3 =	sadd.s32 s3, s5;
	[dreg:$0x0] =	wrdreg $0x0  }
0xa8: {  	s5 =	sshll.u32 s28, $0x1;
	[dreg:$0x2] =	wrdreg s3  }
0xa9: {  	[dreg:$0x3] =	wrdreg s5  }
0xaa: {  	[dreg:$0x4] =	wrdreg $0xC0  }
0xab: {  	_ =	task [dreg:s7], $0x5FFFF  }
0xac: {  	[dreg:$0x1] =	wrdreg $0xFFFFFFFF  }
0xad: {  	[dreg:$0x0] =	wrdreg $0x60  }
0xae: {  	[dreg:$0x2] =	wrdreg s24  }
0xaf: {  	[dreg:$0x3] =	wrdreg s2  }
0xb0: {  	[dreg:$0x4] =	wrdreg $0x9  }
0xb1: {  	_ =	task.clear_ibuf [dreg:s7], $0x5FFFF;
	_ =	strace $0x90000046  }
0xb2: {  	s29 =	simm.s32 $0x9;
	_ =	strace $0x80000048  }
0xb3: {  	_ =	swait.ge [sflag:s29], $0x1  }
0xb4: {  	[sflag:s29] =	ssyncadd.s32 $0xFFFFFFFF  }
0xb5: {  	_ =	strace $0x90000048  }
0xb6: {  	_ =	sfence  }
0xb7: {  	s30 =	sld [smem:$0x0];
	_ =	sdelay $0x2  }
0xb8: {  	s31 =	sshll.u32 s1, $0xD;
	s1 =	sshrl.u32 s1, $0x2  }
0xb9: {  	s3 =	sand.u32 $0x4000, s31;
	s1 =	sadd.s32 s1, s30  }
0xba: {  	s0 =	sor.u32 s3, s0;
	s1 =	sshll.u32 s1, $0x11  }
0xbb: {  	s0 =	sor.u32 s1, s0  }
0xbc: {  	s0 =	sadd.s32 $0x8F2B, s0  }
0xbd: {  	[sflag:s0] =	ssyncadd.remote.s32 $0x1  }
0xbe: {  	_ =	sfence.sel $0xFFFF  }
0xbf: {  	[dreg:$0x0] =	wrdreg $0xFFFFFFFF;
	(pc) =	sbr.abs _section_cstart, $3  }
0xc0: {  	[dreg:$0x1] =	wrdreg $0xFFFFFFFF  }
0xc1: {  	_ =	task.clear_ibuf [dreg:s7], $0x2FFFF;
	_ =	strace $0x9FFFFFFF  }
0xc2: {  	(tm) =	ssettm $0x7FFFFFFF  }
0xc3: {  	_ =	shalt  }
tec
execute0_lowered:
.L_overlay_start_1:
0x0: {  	(tag) =	ssettag $0x1  }
0x1: {  	s0 =	rddreg [dreg:$0x0]  }
0x2: {  	s1 =	rddreg [dreg:$0x1];
	s2 =	simm.s32 $0x0  }
0x3: {  	s3 =	srdreg.scid;
	s4 =	stileid.u32;
	s19 =	simm.s32 $0x80  }
0x4: {  	s20 =	simm.s32 $0x100;
	s28 =	simm.s32 $0x400;
	s29 =	simm.s32 $0x11000  }
0x5: {  	s30 =	simm.s32 $0x11800;
	s31 =	simm.s32 $0x11C00;
	[smem:$0x7FF] =	sst s2  }
0x6: {  	s5 =	sand.u32 $0x1, s3;
	s21 =	sshll.u32 s4, $0x1;
	s6 =	sadd.s32 $0x22400, s0  }
0x7: {  	_ =	strace $0x80000047;
	s3 =	sor.u32 s5, s21;
	[dreg:$0x3] =	wrdreg s6  }
0x8: {  	s5 =	ssub.s32 $0x2, s5;
	s6 =	sadd.s32 $0x2000, s0;
	[dreg:$0x16] =	wrdreg s19  }
0x9: {  	[dreg:$0x17] =	wrdreg s20;
	s22 =	sshll.u32 s3, $0x7;
	s7 =	smul.u32 $0x44000, s3  }
0xa: {  	s23 =	smul.u32 $0x8800, s3;
	s4 =	sadd.s32 s22, s0;
	s22 =	simm.s32 $0x180  }
0xb: {  	s3 =	sshll.u32 s3, $0xC;
	s4 =	sadd.s32 $0x1D400, s4;
	[dreg:$0x18] =	wrdreg s22  }
0xc: {  	s25 =	sadd.s32 s3, s0;
	s24 =	sadd.s32 s1, s23;
	[dreg:$0x4] =	wrdreg s4  }
0xd: {  	s21 =	simm.s32 $0x7;
	s8 =	sadd.s32 $0x22E00, s25;
	[dreg:$0x5] =	wrdreg s24  }
0xe: {  	s20 =	simm.s32 $0x17400;
	s10 =	sadd.s32 $0x23000, s25;
	[dreg:$0x9] =	wrdreg s8  }
0xf: {  	s3 =	sadd.s32 $0x1E00, s0;
	s12 =	sadd.s32 $0x23200, s25;
	[dreg:$0xb] =	wrdreg s10  }
0x10: {  	s7 =	sshrl.u32 s7, $0x3;
	s14 =	sadd.s32 $0x23400, s25;
	[dreg:$0xd] =	wrdreg s12  }
0x11: {  	s15 =	sadd.s32 $0x23600, s25;
	s17 =	sadd.s32 $0x23800, s25;
	[dreg:$0xf] =	wrdreg s14  }
0x12: {  	s18 =	sadd.s32 $0x23A00, s25;
	s23 =	simm.s32 $0x200;
	[dreg:$0x11] =	wrdreg s15  }
0x13: {  	s22 =	simm.s32 $0xFC00;
	s1 =	sadd.s32 s1, s7;
	[dreg:$0x13] =	wrdreg s17  }
0x14: {  	s4 =	sadd.s32 $0x22C00, s25;
	s8 =	sshrl.u32 s5, $0x1;
	[dreg:$0x15] =	wrdreg s18  }
0x15: {  	s14 =	simm.s32 $0x2000;
	[dreg:$0x19] =	wrdreg s23;
	s24 =	simm.s32 $0x280  }
0x16: {  	s25 =	simm.s32 $0x300;
	s12 =	simm.s32 $0x5;
	[dreg:$0x7] =	wrdreg s4  }
0x17: {  	s15 =	simm.s32 $0x6;
	s10 =	simm.s32 $0x7400;
	[dreg:$0x1a] =	wrdreg s24  }
0x18: {  	s18 =	simm.s32 $0x16400;
	s26 =	sadd.s32 $0x800, s1;
	[dreg:$0x1b] =	wrdreg s25  }
0x19: {  	s23 =	simm.s32 $0x10000;
	s7 =	sadd.s32 $0x1800, s1;
	[dreg:$0x6] =	wrdreg s26  }
0x1a: {  	s9 =	sadd.s32 $0x2800, s1;
	s11 =	sadd.s32 $0x3800, s1;
	[dreg:$0x8] =	wrdreg s7  }
0x1b: {  	s13 =	sadd.s32 $0x4800, s1;
	s4 =	sadd.s32 $0x1E400, s0;
	[dreg:$0xa] =	wrdreg s9  }
0x1c: {  	s16 =	sadd.s32 $0x6800, s1;
	s8 =	ssub.s32 s5, s8;
	[dreg:$0xc] =	wrdreg s11  }
0x1d: {  	s5 =	sadd.s32 $0x1F00, s0;
	s25 =	simm.s32 $0x1;
	[dreg:$0xe] =	wrdreg s13  }
0x1e: {  	s24 =	simm.s32 $0x10800;
	s7 =	sadd.s32 $0x5800, s1;
	[dreg:$0x12] =	wrdreg s16  }
0x1f: {  	s1 =	sadd.s32 $0x7800, s1;
	s8 =	smax.u32 s8, $0x1;
	[dreg:$0x10] =	wrdreg s7  }
0x20: {  	v2 =	vlaneseq.u32;
	s13 =	simm.s32 $0x1C00;
	s26 =	simm.s32 $0x380;
	[dreg:$0x14] =	wrdreg s1  }
0x21: {  	vm0 =	vmmov $0xffff;
	vm1 =	vmmov $0xff;
	v1 =	vshrl.u32 v2, $0x3;
	s11 =	simm.s32 $0x3;
	s7 =	sadd.s32 $0x2100, s0;
	[dreg:$0x1c] =	wrdreg s26  }
0x22: {  	v0 =	vand.u32 $0x7, v2;
	v2 =	vor.u32 $0x8, v2;
	v1 =	vmul.u32 $0x8, v1;
	s0 =	simm.s32 $0x2;
	s1 =	simm.s32 $0x4;
	s26 =	simm.s32 $0x15400  }
.LBB2_1:
0x23: {  	s16 =	rddreg [dreg:$0x4]  }
0x24: {  	[tilespmem:s2], [sflag:$0x7] =	stream.linear.gather [hbm4b:s16+s2], $0x400, $0x38;
	[tilespmem:$0x1C400] =	vst v63  }
0x25: {  	_ =	swait.ge [sflag:s21], $0x400  }
0x26: {  	[sflag:s21] =	ssyncset.done $0x0  }
0x27: {  	[sflag:s21] =	ssyncadd.s32 $0xFFFFFC00  }
0x28: {  	v3 =	vld [tilespmem:$0x0];
	_ =	sdelay $0x4  }
0x29: {  	v4 =	vshrl.u32 v3, $0x3  }
0x2a: {  	v4 =	vmul.u32 $0x38, v4  }
0x2b: {  	v3 =	vand.u32 $0x7, v3  }
0x2c: {  	v3 =	vor.u32 v3, v4  }
0x2d: {  	v4 =	vperm.xlane v3, v0;
	_ =	sdelay $0x1  }
0x2e: {  	v4 =	vadd.s32 v1, v4;
	_ =	sdelay $0x4  }
0x2f: {  	[tilespmem:s28], [sflag:$0x1] =	stream.indirect_vreg.gather [hbm4b:s3+s2], $0x80, v4, vm0, $0xb8;
	[tilespmem:$0x1C400] =	vst v63  }
0x30: {  	s9 =	simm.s32 $0xC00;
	v3 =	vperm.xlane v3, v2  }
0x31: {  	[tilespmem:s9], [sflag:$0x1] =	stream.indirect_vreg.gather [hbm4b:s5+s2], $0x80, v4, vm0, $0xb8;
	[tilespmem:$0x1C400] =	vst v63  }
0x32: {  	s19 =	simm.s32 $0x1400;
	v3 =	vadd.s32 v1, v3  }
0x33: {  	[tilespmem:s19], [sflag:$0x1] =	stream.indirect_vreg.gather [hbm4b:s6+s2], $0x80, v4, vm0, $0xb8;
	[tilespmem:$0x1C400] =	vst v63  }
0x34: {  	_ = 	snop  }
0x35: {  	[tilespmem:s13], [sflag:$0x1] =	stream.indirect_vreg.gather [hbm4b:s7+s2], $0x80, v4, vm1, $0xb8;
	[tilespmem:$0x1C400] =	vst v63  }
0x36: {  	_ = 	snop  }
0x37: {  	[tilespmem:s14], [sflag:$0x1] =	stream.indirect_vreg.gather [hbm4b:s3+s2], $0x80, v3, vm0, $0xb8;
	[tilespmem:$0x1C400] =	vst v63  }
0x38: {  	s16 =	simm.s32 $0x2800  }
0x39: {  	[tilespmem:s16], [sflag:$0x1] =	stream.indirect_vreg.gather [hbm4b:s5+s2], $0x80, v3, vm0, $0xb8;
	[tilespmem:$0x1C400] =	vst v63  }
0x3a: {  	s17 =	simm.s32 $0x3000  }
0x3b: {  	[tilespmem:s17], [sflag:$0x1] =	stream.indirect_vreg.gather [hbm4b:s6+s2], $0x80, v3, vm0, $0xb8;
	[tilespmem:$0x1C400] =	vst v63  }
0x3c: {  	s19 =	simm.s32 $0x3800  }
0x3d: {  	[tilespmem:s19], [sflag:$0x1] =	stream.indirect_vreg.gather [hbm4b:s7+s2], $0x80, v3, vm1, $0xb8;
	[tilespmem:$0x1C400] =	vst v63  }
0x3e: {  	v3 =	vld [tilespmem:$0x10];
	_ =	sdelay $0x4  }
0x3f: {  	v49 =	vshrl.u32 v3, $0x3  }
0x40: {  	v4 =	vmul.u32 $0x38, v49  }
0x41: {  	v3 =	vand.u32 $0x7, v3  }
0x42: {  	v3 =	vor.u32 v3, v4  }
0x43: {  	v4 =	vperm.xlane v3, v0;
	_ =	sdelay $0x1  }
0x44: {  	v4 =	vadd.s32 v1, v4;
	_ =	sdelay $0x3  }
0x45: {  	s16 =	simm.s32 $0x3C00  }
0x46: {  	[tilespmem:s16], [sflag:$0x1] =	stream.indirect_vreg.gather [hbm4b:s3+s2], $0x80, v4, vm0, $0xb8;
	[tilespmem:$0x1C400] =	vst v63  }
0x47: {  	s17 =	simm.s32 $0x4400;
	v3 =	vperm.xlane v3, v2  }
0x48: {  	[tilespmem:s17], [sflag:$0x1] =	stream.indirect_vreg.gather [hbm4b:s5+s2], $0x80, v4, vm0, $0xb8;
	[tilespmem:$0x1C400] =	vst v63  }
0x49: {  	s19 =	simm.s32 $0x4C00;
	v3 =	vadd.s32 v1, v3  }
0x4a: {  	[tilespmem:s19], [sflag:$0x1] =	stream.indirect_vreg.gather [hbm4b:s6+s2], $0x80, v4, vm0, $0xb8;
	[tilespmem:$0x1C400] =	vst v63  }
0x4b: {  	s16 =	simm.s32 $0x5400  }
0x4c: {  	[tilespmem:s16], [sflag:$0x1] =	stream.indirect_vreg.gather [hbm4b:s7+s2], $0x80, v4, vm1, $0xb8;
	[tilespmem:$0x1C400] =	vst v63  }
0x4d: {  	s17 =	simm.s32 $0x5800  }
0x4e: {  	[tilespmem:s17], [sflag:$0x1] =	stream.indirect_vreg.gather [hbm4b:s3+s2], $0x80, v3, vm0, $0xb8;
	[tilespmem:$0x1C400] =	vst v63  }
0x4f: {  	s19 =	simm.s32 $0x6000  }
0x50: {  	[tilespmem:s19], [sflag:$0x1] =	stream.indirect_vreg.gather [hbm4b:s5+s2], $0x80, v3, vm0, $0xb8;
	[tilespmem:$0x1C400] =	vst v63  }
0x51: {  	s16 =	simm.s32 $0x6800  }
0x52: {  	[tilespmem:s16], [sflag:$0x1] =	stream.indirect_vreg.gather [hbm4b:s6+s2], $0x80, v3, vm0, $0xb8;
	[tilespmem:$0x1C400] =	vst v63  }
0x53: {  	s17 =	simm.s32 $0x7000  }
0x54: {  	[tilespmem:s17], [sflag:$0x1] =	stream.indirect_vreg.gather [hbm4b:s7+s2], $0x80, v3, vm1, $0xb8;
	[tilespmem:$0x1C400] =	vst v63  }
0x55: {  	s9 =	simm.s32 $0x20  }
0x56: {  	[tilespmem:s26], [sflag:$0x1] =	stream.indirect.gather [hbm4b:s4+s9], $0x80, s2, s9, $0xb8;
	[tilespmem:$0x1C400] =	vst v63  }
0x57: {  	v3 =	vld [tilespmem:$0x80];
	_ =	sdelay $0x4  }
0x58: {  	v50 =	vshrl.u32 v3, $0x3  }
0x59: {  	v4 =	vmul.u32 $0x38, v50  }
0x5a: {  	v3 =	vand.u32 $0x7, v3  }
0x5b: {  	v3 =	vor.u32 v3, v4  }
0x5c: {  	v4 =	vperm.xlane v3, v0;
	_ =	sdelay $0x1  }
0x5d: {  	v4 =	vadd.s32 v1, v4;
	_ =	sdelay $0x4  }
0x5e: {  	[tilespmem:s10], [sflag:$0x2] =	stream.indirect_vreg.gather [hbm4b:s3+s2], $0x80, v4, vm0, $0xb8;
	[tilespmem:$0x1C400] =	vst v63  }
0x5f: {  	s19 =	simm.s32 $0x7C00;
	v3 =	vperm.xlane v3, v2  }
0x60: {  	[tilespmem:s19], [sflag:$0x2] =	stream.indirect_vreg.gather [hbm4b:s5+s2], $0x80, v4, vm0, $0xb8;
	[tilespmem:$0x1C400] =	vst v63  }
0x61: {  	s17 =	simm.s32 $0x8400;
	v3 =	vadd.s32 v1, v3  }
0x62: {  	[tilespmem:s17], [sflag:$0x2] =	stream.indirect_vreg.gather [hbm4b:s6+s2], $0x80, v4, vm0, $0xb8;
	[tilespmem:$0x1C400] =	vst v63  }
0x63: {  	s19 =	simm.s32 $0x8C00  }
0x64: {  	[tilespmem:s19], [sflag:$0x2] =	stream.indirect_vreg.gather [hbm4b:s7+s2], $0x80, v4, vm1, $0xb8;
	[tilespmem:$0x1C400] =	vst v63  }
0x65: {  	s17 =	simm.s32 $0x9000  }
0x66: {  	[tilespmem:s17], [sflag:$0x2] =	stream.indirect_vreg.gather [hbm4b:s3+s2], $0x80, v3, vm0, $0xb8;
	[tilespmem:$0x1C400] =	vst v63  }
0x67: {  	s19 =	simm.s32 $0x9800  }
0x68: {  	[tilespmem:s19], [sflag:$0x2] =	stream.indirect_vreg.gather [hbm4b:s5+s2], $0x80, v3, vm0, $0xb8;
	[tilespmem:$0x1C400] =	vst v63  }
0x69: {  	s17 =	simm.s32 $0xA000  }
0x6a: {  	[tilespmem:s17], [sflag:$0x2] =	stream.indirect_vreg.gather [hbm4b:s6+s2], $0x80, v3, vm0, $0xb8;
	[tilespmem:$0x1C400] =	vst v63  }
0x6b: {  	s19 =	simm.s32 $0xA800  }
0x6c: {  	[tilespmem:s19], [sflag:$0x2] =	stream.indirect_vreg.gather [hbm4b:s7+s2], $0x80, v3, vm1, $0xb8;
	[tilespmem:$0x1C400] =	vst v63  }
0x6d: {  	v3 =	vld [tilespmem:$0x90];
	_ =	sdelay $0x4  }
0x6e: {  	v51 =	vshrl.u32 v3, $0x3  }
0x6f: {  	v4 =	vmul.u32 $0x38, v51  }
0x70: {  	v3 =	vand.u32 $0x7, v3  }
0x71: {  	v3 =	vor.u32 v3, v4  }
0x72: {  	v4 =	vperm.xlane v3, v0;
	_ =	sdelay $0x1  }
0x73: {  	v4 =	vadd.s32 v1, v4;
	_ =	sdelay $0x3  }
0x74: {  	s17 =	simm.s32 $0xAC00  }
0x75: {  	[tilespmem:s17], [sflag:$0x2] =	stream.indirect_vreg.gather [hbm4b:s3+s2], $0x80, v4, vm0, $0xb8;
	[tilespmem:$0x1C400] =	vst v63  }
0x76: {  	s19 =	simm.s32 $0xB400;
	v3 =	vperm.xlane v3, v2  }
0x77: {  	[tilespmem:s19], [sflag:$0x2] =	stream.indirect_vreg.gather [hbm4b:s5+s2], $0x80, v4, vm0, $0xb8;
	[tilespmem:$0x1C400] =	vst v63  }
0x78: {  	v3 =	vadd.s32 v1, v3;
	s17 =	simm.s32 $0xBC00  }
0x79: {  	[tilespmem:s17], [sflag:$0x2] =	stream.indirect_vreg.gather [hbm4b:s6+s2], $0x80, v4, vm0, $0xb8;
	[tilespmem:$0x1C400] =	vst v63  }
0x7a: {  	s19 =	simm.s32 $0xC400  }
0x7b: {  	[tilespmem:s19], [sflag:$0x2] =	stream.indirect_vreg.gather [hbm4b:s7+s2], $0x80, v4, vm1, $0xb8;
	[tilespmem:$0x1C400] =	vst v63  }
0x7c: {  	s17 =	simm.s32 $0xC800  }
0x7d: {  	[tilespmem:s17], [sflag:$0x2] =	stream.indirect_vreg.gather [hbm4b:s3+s2], $0x80, v3, vm0, $0xb8;
	[tilespmem:$0x1C400] =	vst v63  }
0x7e: {  	s19 =	simm.s32 $0xD000  }
0x7f: {  	[tilespmem:s19], [sflag:$0x2] =	stream.indirect_vreg.gather [hbm4b:s5+s2], $0x80, v3, vm0, $0xb8;
	[tilespmem:$0x1C400] =	vst v63  }
0x80: {  	s17 =	simm.s32 $0xD800  }
0x81: {  	[tilespmem:s17], [sflag:$0x2] =	stream.indirect_vreg.gather [hbm4b:s6+s2], $0x80, v3, vm0, $0xb8;
	[tilespmem:$0x1C400] =	vst v63  }
0x82: {  	s17 =	simm.s32 $0xE000  }
0x83: {  	[tilespmem:s17], [sflag:$0x2] =	stream.indirect_vreg.gather [hbm4b:s7+s2], $0x80, v3, vm1, $0xb8;
	[tilespmem:$0x1C400] =	vst v63  }
0x84: {  	s19 =	rddreg [dreg:$0x16]  }
0x85: {  	[tilespmem:s18], [sflag:$0x2] =	stream.indirect.gather [hbm4b:s4+s9], $0x80, s19, s9, $0xb8;
	[tilespmem:$0x1C400] =	vst v63  }
0x86: {  	s17 =	rddreg [dreg:$0x3];
	s19 =	simm.s32 $0x18400  }
0x87: {  	[tilespmem:s19], [sflag:$0x7] =	stream.linear.gather [hbm4b:s17+s2], $0x4000, $0x38;
	[tilespmem:$0x1C400] =	vst v63  }
0x88: {  	_ =	swait.ge [sflag:s21], $0x4000  }
0x89: {  	[sflag:s21] =	ssyncset.done $0x0  }
0x8a: {  	s17 =	rddreg [dreg:$0x5];
	[sflag:s21] =	ssyncadd.s32 $0xFFFFC000  }
0x8b: {  	[hbm4b:s17+s2] =	stream.linear.scatter [tilespmem:s19], [sflag:$0x7], $0x4000, $0x38;
	[tilespmem:$0x1C400] =	vst v63  }
0x8c: {  	_ =	swait.ge [sflag:s21], $0x4000  }
0x8d: {  	[sflag:s21] =	ssyncset.done $0x0  }
0x8e: {  	[sflag:s21] =	ssyncadd.s32 $0xFFFFC000  }
0x8f: {  	_ =	swait.ge [sflag:s25], $0x7000  }
0x90: {  	[sflag:s25] =	ssyncset.done $0x0  }
0x91: {  	[sflag:s25] =	ssyncadd.s32 $0xFFFF9000  }
0x92: {  	_ =	swait.ge [sflag:s25], $0x1000  }
0x93: {  	[sflag:s25] =	ssyncset.done $0x0  }
0x94: {  	s17 =	rddreg [dreg:$0x6];
	[sflag:s25] =	ssyncadd.s32 $0xFFFFF000  }
0x95: {  	[hbm4b:s17+s13] =	stream.strided.scatter [tilespmem:s28], [sflag:$0x4], $0x7000, s14, s13, $0x38;
	[tilespmem:$0x1C400] =	vst v63  }
0x96: {  	s19 =	rddreg [dreg:$0x7]  }
0x97: {  	[hbm4b:s19+s2] =	stream.linear.scatter [tilespmem:s26], [sflag:$0x4], $0x1000, $0x38;
	[tilespmem:$0x1C400] =	vst v63  }
0x98: {  	v3 =	vld [tilespmem:$0x100];
	_ =	sdelay $0x4  }
0x99: {  	v52 =	vshrl.u32 v3, $0x3  }
0x9a: {  	v4 =	vmul.u32 $0x38, v52  }
0x9b: {  	v3 =	vand.u32 $0x7, v3  }
0x9c: {  	v3 =	vor.u32 v3, v4  }
0x9d: {  	v4 =	vperm.xlane v3, v0;
	_ =	sdelay $0x1  }
0x9e: {  	v4 =	vadd.s32 v1, v4;
	_ =	sdelay $0x3  }
0x9f: {  	s19 =	simm.s32 $0xE400  }
0xa0: {  	[tilespmem:s19], [sflag:$0x3] =	stream.indirect_vreg.gather [hbm4b:s3+s2], $0x80, v4, vm0, $0xb8;
	[tilespmem:$0x1C400] =	vst v63  }
0xa1: {  	s17 =	simm.s32 $0xEC00;
	v3 =	vperm.xlane v3, v2  }
0xa2: {  	[tilespmem:s17], [sflag:$0x3] =	stream.indirect_vreg.gather [hbm4b:s5+s2], $0x80, v4, vm0, $0xb8;
	[tilespmem:$0x1C400] =	vst v63  }
0xa3: {  	v3 =	vadd.s32 v1, v3;
	s17 =	simm.s32 $0xF400  }
0xa4: {  	[tilespmem:s17], [sflag:$0x3] =	stream.indirect_vreg.gather [hbm4b:s6+s2], $0x80, v4, vm0, $0xb8;
	[tilespmem:$0x1C400] =	vst v63  }
0xa5: {  	_ = 	snop  }
0xa6: {  	[tilespmem:s22], [sflag:$0x3] =	stream.indirect_vreg.gather [hbm4b:s7+s2], $0x80, v4, vm1, $0xb8;
	[tilespmem:$0x1C400] =	vst v63  }
0xa7: {  	_ = 	snop  }
0xa8: {  	[tilespmem:s23], [sflag:$0x3] =	stream.indirect_vreg.gather [hbm4b:s3+s2], $0x80, v3, vm0, $0xb8;
	[tilespmem:$0x1C400] =	vst v63  }
0xa9: {  	_ = 	snop  }
0xaa: {  	[tilespmem:s24], [sflag:$0x3] =	stream.indirect_vreg.gather [hbm4b:s5+s2], $0x80, v3, vm0, $0xb8;
	[tilespmem:$0x1C400] =	vst v63  }
0xab: {  	_ = 	snop  }
0xac: {  	[tilespmem:s29], [sflag:$0x3] =	stream.indirect_vreg.gather [hbm4b:s6+s2], $0x80, v3, vm0, $0xb8;
	[tilespmem:$0x1C400] =	vst v63  }
0xad: {  	_ = 	snop  }
0xae: {  	[tilespmem:s30], [sflag:$0x3] =	stream.indirect_vreg.gather [hbm4b:s7+s2], $0x80, v3, vm1, $0xb8;
	[tilespmem:$0x1C400] =	vst v63  }
0xaf: {  	v3 =	vld [tilespmem:$0x110];
	_ =	sdelay $0x4  }
0xb0: {  	v53 =	vshrl.u32 v3, $0x3  }
0xb1: {  	v4 =	vmul.u32 $0x38, v53  }
0xb2: {  	v3 =	vand.u32 $0x7, v3  }
0xb3: {  	v3 =	vor.u32 v3, v4  }
0xb4: {  	v4 =	vperm.xlane v3, v0;
	_ =	sdelay $0x1  }
0xb5: {  	v4 =	vadd.s32 v1, v4;
	_ =	sdelay $0x4  }
0xb6: {  	[tilespmem:s31], [sflag:$0x3] =	stream.indirect_vreg.gather [hbm4b:s3+s2], $0x80, v4, vm0, $0xb8;
	[tilespmem:$0x1C400] =	vst v63  }
0xb7: {  	s17 =	simm.s32 $0x12400;
	v3 =	vperm.xlane v3, v2  }
0xb8: {  	[tilespmem:s17], [sflag:$0x3] =	stream.indirect_vreg.gather [hbm4b:s5+s2], $0x80, v4, vm0, $0xb8;
	[tilespmem:$0x1C400] =	vst v63  }
0xb9: {  	v3 =	vadd.s32 v1, v3;
	s17 =	simm.s32 $0x12C00  }
0xba: {  	[tilespmem:s17], [sflag:$0x3] =	stream.indirect_vreg.gather [hbm4b:s6+s2], $0x80, v4, vm0, $0xb8;
	[tilespmem:$0x1C400] =	vst v63  }
0xbb: {  	s17 =	simm.s32 $0x13400  }
0xbc: {  	[tilespmem:s17], [sflag:$0x3] =	stream.indirect_vreg.gather [hbm4b:s7+s2], $0x80, v4, vm1, $0xb8;
	[tilespmem:$0x1C400] =	vst v63  }
0xbd: {  	s17 =	simm.s32 $0x13800  }
0xbe: {  	[tilespmem:s17], [sflag:$0x3] =	stream.indirect_vreg.gather [hbm4b:s3+s2], $0x80, v3, vm0, $0xb8;
	[tilespmem:$0x1C400] =	vst v63  }
0xbf: {  	s17 =	simm.s32 $0x14000  }
0xc0: {  	[tilespmem:s17], [sflag:$0x3] =	stream.indirect_vreg.gather [hbm4b:s5+s2], $0x80, v3, vm0, $0xb8;
	[tilespmem:$0x1C400] =	vst v63  }
0xc1: {  	s17 =	simm.s32 $0x14800  }
0xc2: {  	[tilespmem:s17], [sflag:$0x3] =	stream.indirect_vreg.gather [hbm4b:s6+s2], $0x80, v3, vm0, $0xb8;
	[tilespmem:$0x1C400] =	vst v63  }
0xc3: {  	s17 =	simm.s32 $0x15000  }
0xc4: {  	[tilespmem:s17], [sflag:$0x3] =	stream.indirect_vreg.gather [hbm4b:s7+s2], $0x80, v3, vm1, $0xb8;
	[tilespmem:$0x1C400] =	vst v63  }
0xc5: {  	s16 =	rddreg [dreg:$0x17]  }
0xc6: {  	[tilespmem:s20], [sflag:$0x3] =	stream.indirect.gather [hbm4b:s4+s9], $0x80, s16, s9, $0xb8;
	[tilespmem:$0x1C400] =	vst v63  }
0xc7: {  	_ =	swait.ge [sflag:s0], $0x7000  }
0xc8: {  	[sflag:s0] =	ssyncset.done $0x0  }
0xc9: {  	[sflag:s0] =	ssyncadd.s32 $0xFFFF9000  }
0xca: {  	_ =	swait.ge [sflag:s0], $0x1000  }
0xcb: {  	[sflag:s0] =	ssyncset.done $0x0  }
0xcc: {  	s16 =	rddreg [dreg:$0x8];
	[sflag:s0] =	ssyncadd.s32 $0xFFFFF000  }
0xcd: {  	[hbm4b:s16+s13] =	stream.strided.scatter [tilespmem:s10], [sflag:$0x5], $0x7000, s14, s13, $0x38;
	[tilespmem:$0x1C400] =	vst v63  }
0xce: {  	s17 =	rddreg [dreg:$0x9]  }
0xcf: {  	[hbm4b:s17+s2] =	stream.linear.scatter [tilespmem:s18], [sflag:$0x5], $0x1000, $0x38;
	[tilespmem:$0x1C400] =	vst v63  }
0xd0: {  	_ =	swait.ge [sflag:s1], $0x7000  }
0xd1: {  	[sflag:s1] =	ssyncset.done $0x0  }
0xd2: {  	[sflag:s1] =	ssyncadd.s32 $0xFFFF9000  }
0xd3: {  	_ =	swait.ge [sflag:s1], $0x1000  }
0xd4: {  	[sflag:s1] =	ssyncset.done $0x0  }
0xd5: {  	[sflag:s1] =	ssyncadd.s32 $0xFFFFF000  }
0xd6: {  	v3 =	vld [tilespmem:$0x180];
	_ =	sdelay $0x4  }
0xd7: {  	v54 =	vshrl.u32 v3, $0x3  }
0xd8: {  	v4 =	vmul.u32 $0x38, v54  }
0xd9: {  	v3 =	vand.u32 $0x7, v3  }
0xda: {  	v3 =	vor.u32 v3, v4  }
0xdb: {  	v4 =	vperm.xlane v3, v0;
	_ =	sdelay $0x1  }
0xdc: {  	v4 =	vadd.s32 v1, v4;
	_ =	sdelay $0x4  }
0xdd: {  	[tilespmem:s28], [sflag:$0x1] =	stream.indirect_vreg.gather [hbm4b:s3+s2], $0x80, v4, vm0, $0xb8;
	[tilespmem:$0x1C400] =	vst v63  }
0xde: {  	s17 =	simm.s32 $0xC00;
	v3 =	vperm.xlane v3, v2  }
0xdf: {  	[tilespmem:s17], [sflag:$0x1] =	stream.indirect_vreg.gather [hbm4b:s5+s2], $0x80, v4, vm0, $0xb8;
	[tilespmem:$0x1C400] =	vst v63  }
0xe0: {  	v3 =	vadd.s32 v1, v3;
	s17 =	simm.s32 $0x1400  }
0xe1: {  	[tilespmem:s17], [sflag:$0x1] =	stream.indirect_vreg.gather [hbm4b:s6+s2], $0x80, v4, vm0, $0xb8;
	[tilespmem:$0x1C400] =	vst v63  }
0xe2: {  	_ = 	snop  }
0xe3: {  	[tilespmem:s13], [sflag:$0x1] =	stream.indirect_vreg.gather [hbm4b:s7+s2], $0x80, v4, vm1, $0xb8;
	[tilespmem:$0x1C400] =	vst v63  }
0xe4: {  	_ = 	snop  }
0xe5: {  	[tilespmem:s14], [sflag:$0x1] =	stream.indirect_vreg.gather [hbm4b:s3+s2], $0x80, v3, vm0, $0xb8;
	[tilespmem:$0x1C400] =	vst v63  }
0xe6: {  	s17 =	simm.s32 $0x2800  }
0xe7: {  	[tilespmem:s17], [sflag:$0x1] =	stream.indirect_vreg.gather [hbm4b:s5+s2], $0x80, v3, vm0, $0xb8;
	[tilespmem:$0x1C400] =	vst v63  }
0xe8: {  	s17 =	simm.s32 $0x3000  }
0xe9: {  	[tilespmem:s17], [sflag:$0x1] =	stream.indirect_vreg.gather [hbm4b:s6+s2], $0x80, v3, vm0, $0xb8;
	[tilespmem:$0x1C400] =	vst v63  }
0xea: {  	s17 =	simm.s32 $0x3800  }
0xeb: {  	[tilespmem:s17], [sflag:$0x1] =	stream.indirect_vreg.gather [hbm4b:s7+s2], $0x80, v3, vm1, $0xb8;
	[tilespmem:$0x1C400] =	vst v63  }
0xec: {  	v3 =	vld [tilespmem:$0x190];
	_ =	sdelay $0x4  }
0xed: {  	v55 =	vshrl.u32 v3, $0x3  }
0xee: {  	v4 =	vmul.u32 $0x38, v55  }
0xef: {  	v3 =	vand.u32 $0x7, v3  }
0xf0: {  	v3 =	vor.u32 v3, v4  }
0xf1: {  	v4 =	vperm.xlane v3, v0;
	_ =	sdelay $0x1  }
0xf2: {  	v4 =	vadd.s32 v1, v4;
	_ =	sdelay $0x3  }
0xf3: {  	s17 =	simm.s32 $0x3C00  }
0xf4: {  	[tilespmem:s17], [sflag:$0x1] =	stream.indirect_vreg.gather [hbm4b:s3+s2], $0x80, v4, vm0, $0xb8;
	[tilespmem:$0x1C400] =	vst v63  }
0xf5: {  	v3 =	vperm.xlane v3, v2;
	s17 =	simm.s32 $0x4400  }
0xf6: {  	[tilespmem:s17], [sflag:$0x1] =	stream.indirect_vreg.gather [hbm4b:s5+s2], $0x80, v4, vm0, $0xb8;
	[tilespmem:$0x1C400] =	vst v63  }
0xf7: {  	v3 =	vadd.s32 v1, v3;
	s17 =	simm.s32 $0x4C00  }
0xf8: {  	[tilespmem:s17], [sflag:$0x1] =	stream.indirect_vreg.gather [hbm4b:s6+s2], $0x80, v4, vm0, $0xb8;
	[tilespmem:$0x1C400] =	vst v63  }
0xf9: {  	s17 =	simm.s32 $0x5400  }
0xfa: {  	[tilespmem:s17], [sflag:$0x1] =	stream.indirect_vreg.gather [hbm4b:s7+s2], $0x80, v4, vm1, $0xb8;
	[tilespmem:$0x1C400] =	vst v63  }
0xfb: {  	s17 =	simm.s32 $0x5800  }
0xfc: {  	[tilespmem:s17], [sflag:$0x1] =	stream.indirect_vreg.gather [hbm4b:s3+s2], $0x80, v3, vm0, $0xb8;
	[tilespmem:$0x1C400] =	vst v63  }
0xfd: {  	s17 =	simm.s32 $0x6000  }
0xfe: {  	[tilespmem:s17], [sflag:$0x1] =	stream.indirect_vreg.gather [hbm4b:s5+s2], $0x80, v3, vm0, $0xb8;
	[tilespmem:$0x1C400] =	vst v63  }
0xff: {  	s17 =	simm.s32 $0x6800  }
0x100: {  	[tilespmem:s17], [sflag:$0x1] =	stream.indirect_vreg.gather [hbm4b:s6+s2], $0x80, v3, vm0, $0xb8;
	[tilespmem:$0x1C400] =	vst v63  }
0x101: {  	s17 =	simm.s32 $0x7000  }
0x102: {  	[tilespmem:s17], [sflag:$0x1] =	stream.indirect_vreg.gather [hbm4b:s7+s2], $0x80, v3, vm1, $0xb8;
	[tilespmem:$0x1C400] =	vst v63  }
0x103: {  	s16 =	rddreg [dreg:$0x18]  }
0x104: {  	[tilespmem:s26], [sflag:$0x1] =	stream.indirect.gather [hbm4b:s4+s9], $0x80, s16, s9, $0xb8;
	[tilespmem:$0x1C400] =	vst v63  }
0x105: {  	_ =	swait.ge [sflag:s11], $0x7000  }
0x106: {  	[sflag:s11] =	ssyncset.done $0x0  }
0x107: {  	[sflag:s11] =	ssyncadd.s32 $0xFFFF9000  }
0x108: {  	_ =	swait.ge [sflag:s11], $0x1000  }
0x109: {  	[sflag:s11] =	ssyncset.done $0x0  }
0x10a: {  	s16 =	rddreg [dreg:$0xa];
	[sflag:s11] =	ssyncadd.s32 $0xFFFFF000  }
0x10b: {  	[hbm4b:s16+s13] =	stream.strided.scatter [tilespmem:s19], [sflag:$0x6], $0x7000, s14, s13, $0x38;
	[tilespmem:$0x1C400] =	vst v63  }
0x10c: {  	s17 =	rddreg [dreg:$0xb]  }
0x10d: {  	[hbm4b:s17+s2] =	stream.linear.scatter [tilespmem:s20], [sflag:$0x6], $0x1000, $0x38;
	[tilespmem:$0x1C400] =	vst v63  }
0x10e: {  	_ =	swait.ge [sflag:s12], $0x7000  }
0x10f: {  	[sflag:s12] =	ssyncset.done $0x0  }
0x110: {  	[sflag:s12] =	ssyncadd.s32 $0xFFFF9000  }
0x111: {  	_ =	swait.ge [sflag:s12], $0x1000  }
0x112: {  	[sflag:s12] =	ssyncset.done $0x0  }
0x113: {  	[sflag:s12] =	ssyncadd.s32 $0xFFFFF000  }
0x114: {  	v3 =	vld [tilespmem:$0x200];
	_ =	sdelay $0x4  }
0x115: {  	v56 =	vshrl.u32 v3, $0x3  }
0x116: {  	v4 =	vmul.u32 $0x38, v56  }
0x117: {  	v3 =	vand.u32 $0x7, v3  }
0x118: {  	v3 =	vor.u32 v3, v4  }
0x119: {  	v4 =	vperm.xlane v3, v0;
	_ =	sdelay $0x1  }
0x11a: {  	v4 =	vadd.s32 v1, v4;
	_ =	sdelay $0x4  }
0x11b: {  	[tilespmem:s10], [sflag:$0x2] =	stream.indirect_vreg.gather [hbm4b:s3+s2], $0x80, v4, vm0, $0xb8;
	[tilespmem:$0x1C400] =	vst v63  }
0x11c: {  	s17 =	simm.s32 $0x7C00;
	v3 =	vperm.xlane v3, v2  }
0x11d: {  	[tilespmem:s17], [sflag:$0x2] =	stream.indirect_vreg.gather [hbm4b:s5+s2], $0x80, v4, vm0, $0xb8;
	[tilespmem:$0x1C400] =	vst v63  }
0x11e: {  	v3 =	vadd.s32 v1, v3;
	s17 =	simm.s32 $0x8400  }
0x11f: {  	[tilespmem:s17], [sflag:$0x2] =	stream.indirect_vreg.gather [hbm4b:s6+s2], $0x80, v4, vm0, $0xb8;
	[tilespmem:$0x1C400] =	vst v63  }
0x120: {  	s17 =	simm.s32 $0x8C00  }
0x121: {  	[tilespmem:s17], [sflag:$0x2] =	stream.indirect_vreg.gather [hbm4b:s7+s2], $0x80, v4, vm1, $0xb8;
	[tilespmem:$0x1C400] =	vst v63  }
0x122: {  	s17 =	simm.s32 $0x9000  }
0x123: {  	[tilespmem:s17], [sflag:$0x2] =	stream.indirect_vreg.gather [hbm4b:s3+s2], $0x80, v3, vm0, $0xb8;
	[tilespmem:$0x1C400] =	vst v63  }
0x124: {  	s17 =	simm.s32 $0x9800  }
0x125: {  	[tilespmem:s17], [sflag:$0x2] =	stream.indirect_vreg.gather [hbm4b:s5+s2], $0x80, v3, vm0, $0xb8;
	[tilespmem:$0x1C400] =	vst v63  }
0x126: {  	s17 =	simm.s32 $0xA000  }
0x127: {  	[tilespmem:s17], [sflag:$0x2] =	stream.indirect_vreg.gather [hbm4b:s6+s2], $0x80, v3, vm0, $0xb8;
	[tilespmem:$0x1C400] =	vst v63  }
0x128: {  	s17 =	simm.s32 $0xA800  }
0x129: {  	[tilespmem:s17], [sflag:$0x2] =	stream.indirect_vreg.gather [hbm4b:s7+s2], $0x80, v3, vm1, $0xb8;
	[tilespmem:$0x1C400] =	vst v63  }
0x12a: {  	v3 =	vld [tilespmem:$0x210];
	_ =	sdelay $0x4  }
0x12b: {  	v57 =	vshrl.u32 v3, $0x3  }
0x12c: {  	v4 =	vmul.u32 $0x38, v57  }
0x12d: {  	v3 =	vand.u32 $0x7, v3  }
0x12e: {  	v3 =	vor.u32 v3, v4  }
0x12f: {  	v4 =	vperm.xlane v3, v0;
	_ =	sdelay $0x1  }
0x130: {  	v4 =	vadd.s32 v1, v4;
	_ =	sdelay $0x3  }
0x131: {  	s17 =	simm.s32 $0xAC00  }
0x132: {  	[tilespmem:s17], [sflag:$0x2] =	stream.indirect_vreg.gather [hbm4b:s3+s2], $0x80, v4, vm0, $0xb8;
	[tilespmem:$0x1C400] =	vst v63  }
0x133: {  	v3 =	vperm.xlane v3, v2;
	s17 =	simm.s32 $0xB400  }
0x134: {  	[tilespmem:s17], [sflag:$0x2] =	stream.indirect_vreg.gather [hbm4b:s5+s2], $0x80, v4, vm0, $0xb8;
	[tilespmem:$0x1C400] =	vst v63  }
0x135: {  	v3 =	vadd.s32 v1, v3;
	s17 =	simm.s32 $0xBC00  }
0x136: {  	[tilespmem:s17], [sflag:$0x2] =	stream.indirect_vreg.gather [hbm4b:s6+s2], $0x80, v4, vm0, $0xb8;
	[tilespmem:$0x1C400] =	vst v63  }
0x137: {  	s17 =	simm.s32 $0xC400  }
0x138: {  	[tilespmem:s17], [sflag:$0x2] =	stream.indirect_vreg.gather [hbm4b:s7+s2], $0x80, v4, vm1, $0xb8;
	[tilespmem:$0x1C400] =	vst v63  }
0x139: {  	s17 =	simm.s32 $0xC800  }
0x13a: {  	[tilespmem:s17], [sflag:$0x2] =	stream.indirect_vreg.gather [hbm4b:s3+s2], $0x80, v3, vm0, $0xb8;
	[tilespmem:$0x1C400] =	vst v63  }
0x13b: {  	s17 =	simm.s32 $0xD000  }
0x13c: {  	[tilespmem:s17], [sflag:$0x2] =	stream.indirect_vreg.gather [hbm4b:s5+s2], $0x80, v3, vm0, $0xb8;
	[tilespmem:$0x1C400] =	vst v63  }
0x13d: {  	s17 =	simm.s32 $0xD800  }
0x13e: {  	[tilespmem:s17], [sflag:$0x2] =	stream.indirect_vreg.gather [hbm4b:s6+s2], $0x80, v3, vm0, $0xb8;
	[tilespmem:$0x1C400] =	vst v63  }
0x13f: {  	s17 =	simm.s32 $0xE000  }
0x140: {  	[tilespmem:s17], [sflag:$0x2] =	stream.indirect_vreg.gather [hbm4b:s7+s2], $0x80, v3, vm1, $0xb8;
	[tilespmem:$0x1C400] =	vst v63  }
0x141: {  	s16 =	rddreg [dreg:$0x19]  }
0x142: {  	[tilespmem:s18], [sflag:$0x2] =	stream.indirect.gather [hbm4b:s4+s9], $0x80, s16, s9, $0xb8;
	[tilespmem:$0x1C400] =	vst v63  }
0x143: {  	_ =	swait.ge [sflag:s25], $0x7000  }
0x144: {  	[sflag:s25] =	ssyncset.done $0x0  }
0x145: {  	[sflag:s25] =	ssyncadd.s32 $0xFFFF9000  }
0x146: {  	_ =	swait.ge [sflag:s25], $0x1000  }
0x147: {  	[sflag:s25] =	ssyncset.done $0x0  }
0x148: {  	s16 =	rddreg [dreg:$0xc];
	[sflag:s25] =	ssyncadd.s32 $0xFFFFF000  }
0x149: {  	[hbm4b:s16+s13] =	stream.strided.scatter [tilespmem:s28], [sflag:$0x4], $0x7000, s14, s13, $0x38;
	[tilespmem:$0x1C400] =	vst v63  }
0x14a: {  	s17 =	rddreg [dreg:$0xd]  }
0x14b: {  	[hbm4b:s17+s2] =	stream.linear.scatter [tilespmem:s26], [sflag:$0x4], $0x1000, $0x38;
	[tilespmem:$0x1C400] =	vst v63  }
0x14c: {  	_ =	swait.ge [sflag:s15], $0x7000  }
0x14d: {  	[sflag:s15] =	ssyncset.done $0x0  }
0x14e: {  	[sflag:s15] =	ssyncadd.s32 $0xFFFF9000  }
0x14f: {  	_ =	swait.ge [sflag:s15], $0x1000  }
0x150: {  	[sflag:s15] =	ssyncset.done $0x0  }
0x151: {  	[sflag:s15] =	ssyncadd.s32 $0xFFFFF000  }
0x152: {  	v3 =	vld [tilespmem:$0x280];
	_ =	sdelay $0x4  }
0x153: {  	v58 =	vshrl.u32 v3, $0x3  }
0x154: {  	v4 =	vmul.u32 $0x38, v58  }
0x155: {  	v3 =	vand.u32 $0x7, v3  }
0x156: {  	v3 =	vor.u32 v3, v4  }
0x157: {  	v4 =	vperm.xlane v3, v0;
	_ =	sdelay $0x1  }
0x158: {  	v4 =	vadd.s32 v1, v4;
	_ =	sdelay $0x4  }
0x159: {  	[tilespmem:s19], [sflag:$0x3] =	stream.indirect_vreg.gather [hbm4b:s3+s2], $0x80, v4, vm0, $0xb8;
	[tilespmem:$0x1C400] =	vst v63  }
0x15a: {  	s17 =	simm.s32 $0xEC00;
	v3 =	vperm.xlane v3, v2  }
0x15b: {  	[tilespmem:s17], [sflag:$0x3] =	stream.indirect_vreg.gather [hbm4b:s5+s2], $0x80, v4, vm0, $0xb8;
	[tilespmem:$0x1C400] =	vst v63  }
0x15c: {  	v3 =	vadd.s32 v1, v3;
	s17 =	simm.s32 $0xF400  }
0x15d: {  	[tilespmem:s17], [sflag:$0x3] =	stream.indirect_vreg.gather [hbm4b:s6+s2], $0x80, v4, vm0, $0xb8;
	[tilespmem:$0x1C400] =	vst v63  }
0x15e: {  	_ = 	snop  }
0x15f: {  	[tilespmem:s22], [sflag:$0x3] =	stream.indirect_vreg.gather [hbm4b:s7+s2], $0x80, v4, vm1, $0xb8;
	[tilespmem:$0x1C400] =	vst v63  }
0x160: {  	_ = 	snop  }
0x161: {  	[tilespmem:s23], [sflag:$0x3] =	stream.indirect_vreg.gather [hbm4b:s3+s2], $0x80, v3, vm0, $0xb8;
	[tilespmem:$0x1C400] =	vst v63  }
0x162: {  	_ = 	snop  }
0x163: {  	[tilespmem:s24], [sflag:$0x3] =	stream.indirect_vreg.gather [hbm4b:s5+s2], $0x80, v3, vm0, $0xb8;
	[tilespmem:$0x1C400] =	vst v63  }
0x164: {  	_ = 	snop  }
0x165: {  	[tilespmem:s29], [sflag:$0x3] =	stream.indirect_vreg.gather [hbm4b:s6+s2], $0x80, v3, vm0, $0xb8;
	[tilespmem:$0x1C400] =	vst v63  }
0x166: {  	_ = 	snop  }
0x167: {  	[tilespmem:s30], [sflag:$0x3] =	stream.indirect_vreg.gather [hbm4b:s7+s2], $0x80, v3, vm1, $0xb8;
	[tilespmem:$0x1C400] =	vst v63  }
0x168: {  	v3 =	vld [tilespmem:$0x290];
	_ =	sdelay $0x4  }
0x169: {  	v59 =	vshrl.u32 v3, $0x3  }
0x16a: {  	v4 =	vmul.u32 $0x38, v59  }
0x16b: {  	v3 =	vand.u32 $0x7, v3  }
0x16c: {  	v3 =	vor.u32 v3, v4  }
0x16d: {  	v4 =	vperm.xlane v3, v0;
	_ =	sdelay $0x1  }
0x16e: {  	v4 =	vadd.s32 v1, v4;
	_ =	sdelay $0x4  }
0x16f: {  	[tilespmem:s31], [sflag:$0x3] =	stream.indirect_vreg.gather [hbm4b:s3+s2], $0x80, v4, vm0, $0xb8;
	[tilespmem:$0x1C400] =	vst v63  }
0x170: {  	s17 =	simm.s32 $0x12400;
	v3 =	vperm.xlane v3, v2  }
0x171: {  	[tilespmem:s17], [sflag:$0x3] =	stream.indirect_vreg.gather [hbm4b:s5+s2], $0x80, v4, vm0, $0xb8;
	[tilespmem:$0x1C400] =	vst v63  }
0x172: {  	v3 =	vadd.s32 v1, v3;
	s17 =	simm.s32 $0x12C00  }
0x173: {  	[tilespmem:s17], [sflag:$0x3] =	stream.indirect_vreg.gather [hbm4b:s6+s2], $0x80, v4, vm0, $0xb8;
	[tilespmem:$0x1C400] =	vst v63  }
0x174: {  	s17 =	simm.s32 $0x13400  }
0x175: {  	[tilespmem:s17], [sflag:$0x3] =	stream.indirect_vreg.gather [hbm4b:s7+s2], $0x80, v4, vm1, $0xb8;
	[tilespmem:$0x1C400] =	vst v63  }
0x176: {  	s17 =	simm.s32 $0x13800  }
0x177: {  	[tilespmem:s17], [sflag:$0x3] =	stream.indirect_vreg.gather [hbm4b:s3+s2], $0x80, v3, vm0, $0xb8;
	[tilespmem:$0x1C400] =	vst v63  }
0x178: {  	s17 =	simm.s32 $0x14000  }
0x179: {  	[tilespmem:s17], [sflag:$0x3] =	stream.indirect_vreg.gather [hbm4b:s5+s2], $0x80, v3, vm0, $0xb8;
	[tilespmem:$0x1C400] =	vst v63  }
0x17a: {  	s17 =	simm.s32 $0x14800  }
0x17b: {  	[tilespmem:s17], [sflag:$0x3] =	stream.indirect_vreg.gather [hbm4b:s6+s2], $0x80, v3, vm0, $0xb8;
	[tilespmem:$0x1C400] =	vst v63  }
0x17c: {  	s17 =	simm.s32 $0x15000  }
0x17d: {  	[tilespmem:s17], [sflag:$0x3] =	stream.indirect_vreg.gather [hbm4b:s7+s2], $0x80, v3, vm1, $0xb8;
	[tilespmem:$0x1C400] =	vst v63  }
0x17e: {  	s16 =	rddreg [dreg:$0x1a]  }
0x17f: {  	[tilespmem:s20], [sflag:$0x3] =	stream.indirect.gather [hbm4b:s4+s9], $0x80, s16, s9, $0xb8;
	[tilespmem:$0x1C400] =	vst v63  }
0x180: {  	_ =	swait.ge [sflag:s0], $0x7000  }
0x181: {  	[sflag:s0] =	ssyncset.done $0x0  }
0x182: {  	[sflag:s0] =	ssyncadd.s32 $0xFFFF9000  }
0x183: {  	_ =	swait.ge [sflag:s0], $0x1000  }
0x184: {  	[sflag:s0] =	ssyncset.done $0x0  }
0x185: {  	s16 =	rddreg [dreg:$0xe];
	[sflag:s0] =	ssyncadd.s32 $0xFFFFF000  }
0x186: {  	[hbm4b:s16+s13] =	stream.strided.scatter [tilespmem:s10], [sflag:$0x5], $0x7000, s14, s13, $0x38;
	[tilespmem:$0x1C400] =	vst v63  }
0x187: {  	s17 =	rddreg [dreg:$0xf]  }
0x188: {  	[hbm4b:s17+s2] =	stream.linear.scatter [tilespmem:s18], [sflag:$0x5], $0x1000, $0x38;
	[tilespmem:$0x1C400] =	vst v63  }
0x189: {  	_ =	swait.ge [sflag:s1], $0x7000  }
0x18a: {  	[sflag:s1] =	ssyncset.done $0x0  }
0x18b: {  	[sflag:s1] =	ssyncadd.s32 $0xFFFF9000  }
0x18c: {  	_ =	swait.ge [sflag:s1], $0x1000  }
0x18d: {  	[sflag:s1] =	ssyncset.done $0x0  }
0x18e: {  	[sflag:s1] =	ssyncadd.s32 $0xFFFFF000  }
0x18f: {  	v3 =	vld [tilespmem:$0x300];
	_ =	sdelay $0x4  }
0x190: {  	v60 =	vshrl.u32 v3, $0x3  }
0x191: {  	v4 =	vmul.u32 $0x38, v60  }
0x192: {  	v3 =	vand.u32 $0x7, v3  }
0x193: {  	v3 =	vor.u32 v3, v4  }
0x194: {  	v4 =	vperm.xlane v3, v0;
	_ =	sdelay $0x1  }
0x195: {  	v4 =	vadd.s32 v1, v4;
	_ =	sdelay $0x4  }
0x196: {  	[tilespmem:s28], [sflag:$0x1] =	stream.indirect_vreg.gather [hbm4b:s3+s2], $0x80, v4, vm0, $0xb8;
	[tilespmem:$0x1C400] =	vst v63  }
0x197: {  	s17 =	simm.s32 $0xC00;
	v3 =	vperm.xlane v3, v2  }
0x198: {  	[tilespmem:s17], [sflag:$0x1] =	stream.indirect_vreg.gather [hbm4b:s5+s2], $0x80, v4, vm0, $0xb8;
	[tilespmem:$0x1C400] =	vst v63  }
0x199: {  	v3 =	vadd.s32 v1, v3;
	s17 =	simm.s32 $0x1400  }
0x19a: {  	[tilespmem:s17], [sflag:$0x1] =	stream.indirect_vreg.gather [hbm4b:s6+s2], $0x80, v4, vm0, $0xb8;
	[tilespmem:$0x1C400] =	vst v63  }
0x19b: {  	_ = 	snop  }
0x19c: {  	[tilespmem:s13], [sflag:$0x1] =	stream.indirect_vreg.gather [hbm4b:s7+s2], $0x80, v4, vm1, $0xb8;
	[tilespmem:$0x1C400] =	vst v63  }
0x19d: {  	_ = 	snop  }
0x19e: {  	[tilespmem:s14], [sflag:$0x1] =	stream.indirect_vreg.gather [hbm4b:s3+s2], $0x80, v3, vm0, $0xb8;
	[tilespmem:$0x1C400] =	vst v63  }
0x19f: {  	s17 =	simm.s32 $0x2800  }
0x1a0: {  	[tilespmem:s17], [sflag:$0x1] =	stream.indirect_vreg.gather [hbm4b:s5+s2], $0x80, v3, vm0, $0xb8;
	[tilespmem:$0x1C400] =	vst v63  }
0x1a1: {  	s17 =	simm.s32 $0x3000  }
0x1a2: {  	[tilespmem:s17], [sflag:$0x1] =	stream.indirect_vreg.gather [hbm4b:s6+s2], $0x80, v3, vm0, $0xb8;
	[tilespmem:$0x1C400] =	vst v63  }
0x1a3: {  	s17 =	simm.s32 $0x3800  }
0x1a4: {  	[tilespmem:s17], [sflag:$0x1] =	stream.indirect_vreg.gather [hbm4b:s7+s2], $0x80, v3, vm1, $0xb8;
	[tilespmem:$0x1C400] =	vst v63  }
0x1a5: {  	v3 =	vld [tilespmem:$0x310];
	_ =	sdelay $0x4  }
0x1a6: {  	v61 =	vshrl.u32 v3, $0x3  }
0x1a7: {  	v4 =	vmul.u32 $0x38, v61  }
0x1a8: {  	v3 =	vand.u32 $0x7, v3  }
0x1a9: {  	v3 =	vor.u32 v3, v4  }
0x1aa: {  	v4 =	vperm.xlane v3, v0;
	_ =	sdelay $0x1  }
0x1ab: {  	v4 =	vadd.s32 v1, v4;
	_ =	sdelay $0x3  }
0x1ac: {  	s17 =	simm.s32 $0x3C00  }
0x1ad: {  	[tilespmem:s17], [sflag:$0x1] =	stream.indirect_vreg.gather [hbm4b:s3+s2], $0x80, v4, vm0, $0xb8;
	[tilespmem:$0x1C400] =	vst v63  }
0x1ae: {  	v3 =	vperm.xlane v3, v2;
	s17 =	simm.s32 $0x4400  }
0x1af: {  	[tilespmem:s17], [sflag:$0x1] =	stream.indirect_vreg.gather [hbm4b:s5+s2], $0x80, v4, vm0, $0xb8;
	[tilespmem:$0x1C400] =	vst v63  }
0x1b0: {  	v3 =	vadd.s32 v1, v3;
	s17 =	simm.s32 $0x4C00  }
0x1b1: {  	[tilespmem:s17], [sflag:$0x1] =	stream.indirect_vreg.gather [hbm4b:s6+s2], $0x80, v4, vm0, $0xb8;
	[tilespmem:$0x1C400] =	vst v63  }
0x1b2: {  	s17 =	simm.s32 $0x5400  }
0x1b3: {  	[tilespmem:s17], [sflag:$0x1] =	stream.indirect_vreg.gather [hbm4b:s7+s2], $0x80, v4, vm1, $0xb8;
	[tilespmem:$0x1C400] =	vst v63  }
0x1b4: {  	s17 =	simm.s32 $0x5800  }
0x1b5: {  	[tilespmem:s17], [sflag:$0x1] =	stream.indirect_vreg.gather [hbm4b:s3+s2], $0x80, v3, vm0, $0xb8;
	[tilespmem:$0x1C400] =	vst v63  }
0x1b6: {  	s17 =	simm.s32 $0x6000  }
0x1b7: {  	[tilespmem:s17], [sflag:$0x1] =	stream.indirect_vreg.gather [hbm4b:s5+s2], $0x80, v3, vm0, $0xb8;
	[tilespmem:$0x1C400] =	vst v63  }
0x1b8: {  	s17 =	simm.s32 $0x6800  }
0x1b9: {  	[tilespmem:s17], [sflag:$0x1] =	stream.indirect_vreg.gather [hbm4b:s6+s2], $0x80, v3, vm0, $0xb8;
	[tilespmem:$0x1C400] =	vst v63  }
0x1ba: {  	s17 =	simm.s32 $0x7000  }
0x1bb: {  	[tilespmem:s17], [sflag:$0x1] =	stream.indirect_vreg.gather [hbm4b:s7+s2], $0x80, v3, vm1, $0xb8;
	[tilespmem:$0x1C400] =	vst v63  }
0x1bc: {  	s16 =	rddreg [dreg:$0x1b]  }
0x1bd: {  	[tilespmem:s26], [sflag:$0x1] =	stream.indirect.gather [hbm4b:s4+s9], $0x80, s16, s9, $0xb8;
	[tilespmem:$0x1C400] =	vst v63  }
0x1be: {  	_ =	swait.ge [sflag:s11], $0x7000  }
0x1bf: {  	[sflag:s11] =	ssyncset.done $0x0  }
0x1c0: {  	[sflag:s11] =	ssyncadd.s32 $0xFFFF9000  }
0x1c1: {  	_ =	swait.ge [sflag:s11], $0x1000  }
0x1c2: {  	[sflag:s11] =	ssyncset.done $0x0  }
0x1c3: {  	s16 =	rddreg [dreg:$0x10];
	[sflag:s11] =	ssyncadd.s32 $0xFFFFF000  }
0x1c4: {  	[hbm4b:s16+s13] =	stream.strided.scatter [tilespmem:s19], [sflag:$0x6], $0x7000, s14, s13, $0x38;
	[tilespmem:$0x1C400] =	vst v63  }
0x1c5: {  	s17 =	rddreg [dreg:$0x11]  }
0x1c6: {  	[hbm4b:s17+s2] =	stream.linear.scatter [tilespmem:s20], [sflag:$0x6], $0x1000, $0x38;
	[tilespmem:$0x1C400] =	vst v63  }
0x1c7: {  	_ =	swait.ge [sflag:s12], $0x7000  }
0x1c8: {  	[sflag:s12] =	ssyncset.done $0x0  }
0x1c9: {  	[sflag:s12] =	ssyncadd.s32 $0xFFFF9000  }
0x1ca: {  	_ =	swait.ge [sflag:s12], $0x1000  }
0x1cb: {  	[sflag:s12] =	ssyncset.done $0x0  }
0x1cc: {  	[sflag:s12] =	ssyncadd.s32 $0xFFFFF000  }
0x1cd: {  	v3 =	vld [tilespmem:$0x380];
	_ =	sdelay $0x4  }
0x1ce: {  	v62 =	vshrl.u32 v3, $0x3  }
0x1cf: {  	v4 =	vmul.u32 $0x38, v62  }
0x1d0: {  	v3 =	vand.u32 $0x7, v3  }
0x1d1: {  	v3 =	vor.u32 v3, v4  }
0x1d2: {  	v4 =	vperm.xlane v3, v0;
	_ =	sdelay $0x1  }
0x1d3: {  	v4 =	vadd.s32 v1, v4;
	_ =	sdelay $0x4  }
0x1d4: {  	[tilespmem:s10], [sflag:$0x2] =	stream.indirect_vreg.gather [hbm4b:s3+s2], $0x80, v4, vm0, $0xb8;
	[tilespmem:$0x1C400] =	vst v63  }
0x1d5: {  	s19 =	simm.s32 $0x7C00;
	v3 =	vperm.xlane v3, v2  }
0x1d6: {  	[tilespmem:s19], [sflag:$0x2] =	stream.indirect_vreg.gather [hbm4b:s5+s2], $0x80, v4, vm0, $0xb8;
	[tilespmem:$0x1C400] =	vst v63  }
0x1d7: {  	s17 =	simm.s32 $0x8400;
	v3 =	vadd.s32 v1, v3  }
0x1d8: {  	[tilespmem:s17], [sflag:$0x2] =	stream.indirect_vreg.gather [hbm4b:s6+s2], $0x80, v4, vm0, $0xb8;
	[tilespmem:$0x1C400] =	vst v63  }
0x1d9: {  	s19 =	simm.s32 $0x8C00  }
0x1da: {  	[tilespmem:s19], [sflag:$0x2] =	stream.indirect_vreg.gather [hbm4b:s7+s2], $0x80, v4, vm1, $0xb8;
	[tilespmem:$0x1C400] =	vst v63  }
0x1db: {  	s17 =	simm.s32 $0x9000  }
0x1dc: {  	[tilespmem:s17], [sflag:$0x2] =	stream.indirect_vreg.gather [hbm4b:s3+s2], $0x80, v3, vm0, $0xb8;
	[tilespmem:$0x1C400] =	vst v63  }
0x1dd: {  	s19 =	simm.s32 $0x9800  }
0x1de: {  	[tilespmem:s19], [sflag:$0x2] =	stream.indirect_vreg.gather [hbm4b:s5+s2], $0x80, v3, vm0, $0xb8;
	[tilespmem:$0x1C400] =	vst v63  }
0x1df: {  	s17 =	simm.s32 $0xA000  }
0x1e0: {  	[tilespmem:s17], [sflag:$0x2] =	stream.indirect_vreg.gather [hbm4b:s6+s2], $0x80, v3, vm0, $0xb8;
	[tilespmem:$0x1C400] =	vst v63  }
0x1e1: {  	s19 =	simm.s32 $0xA800  }
0x1e2: {  	[tilespmem:s19], [sflag:$0x2] =	stream.indirect_vreg.gather [hbm4b:s7+s2], $0x80, v3, vm1, $0xb8;
	[tilespmem:$0x1C400] =	vst v63  }
0x1e3: {  	v3 =	vld [tilespmem:$0x390];
	_ =	sdelay $0x4  }
0x1e4: {  	v63 =	vshrl.u32 v3, $0x3  }
0x1e5: {  	v4 =	vmul.u32 $0x38, v63  }
0x1e6: {  	v3 =	vand.u32 $0x7, v3  }
0x1e7: {  	v3 =	vor.u32 v3, v4  }
0x1e8: {  	v4 =	vperm.xlane v3, v0;
	_ =	sdelay $0x1  }
0x1e9: {  	v4 =	vadd.s32 v1, v4;
	_ =	sdelay $0x3  }
0x1ea: {  	s17 =	simm.s32 $0xAC00  }
0x1eb: {  	[tilespmem:s17], [sflag:$0x2] =	stream.indirect_vreg.gather [hbm4b:s3+s2], $0x80, v4, vm0, $0xb8;
	[tilespmem:$0x1C400] =	vst v63  }
0x1ec: {  	s19 =	simm.s32 $0xB400;
	v3 =	vperm.xlane v3, v2  }
0x1ed: {  	[tilespmem:s19], [sflag:$0x2] =	stream.indirect_vreg.gather [hbm4b:s5+s2], $0x80, v4, vm0, $0xb8;
	[tilespmem:$0x1C400] =	vst v63  }
0x1ee: {  	v3 =	vadd.s32 v1, v3;
	s17 =	simm.s32 $0xBC00  }
0x1ef: {  	[tilespmem:s17], [sflag:$0x2] =	stream.indirect_vreg.gather [hbm4b:s6+s2], $0x80, v4, vm0, $0xb8;
	[tilespmem:$0x1C400] =	vst v63  }
0x1f0: {  	s19 =	simm.s32 $0xC400  }
0x1f1: {  	[tilespmem:s19], [sflag:$0x2] =	stream.indirect_vreg.gather [hbm4b:s7+s2], $0x80, v4, vm1, $0xb8;
	[tilespmem:$0x1C400] =	vst v63  }
0x1f2: {  	s17 =	simm.s32 $0xC800  }
0x1f3: {  	[tilespmem:s17], [sflag:$0x2] =	stream.indirect_vreg.gather [hbm4b:s3+s2], $0x80, v3, vm0, $0xb8;
	[tilespmem:$0x1C400] =	vst v63  }
0x1f4: {  	s19 =	simm.s32 $0xD000  }
0x1f5: {  	[tilespmem:s19], [sflag:$0x2] =	stream.indirect_vreg.gather [hbm4b:s5+s2], $0x80, v3, vm0, $0xb8;
	[tilespmem:$0x1C400] =	vst v63  }
0x1f6: {  	s17 =	simm.s32 $0xD800  }
0x1f7: {  	[tilespmem:s17], [sflag:$0x2] =	stream.indirect_vreg.gather [hbm4b:s6+s2], $0x80, v3, vm0, $0xb8;
	[tilespmem:$0x1C400] =	vst v63  }
0x1f8: {  	s19 =	simm.s32 $0xE000  }
0x1f9: {  	[tilespmem:s19], [sflag:$0x2] =	stream.indirect_vreg.gather [hbm4b:s7+s2], $0x80, v3, vm1, $0xb8;
	[tilespmem:$0x1C400] =	vst v63  }
0x1fa: {  	s16 =	rddreg [dreg:$0x1c]  }
0x1fb: {  	[tilespmem:s18], [sflag:$0x2] =	stream.indirect.gather [hbm4b:s4+s9], $0x80, s16, s9, $0xb8;
	[tilespmem:$0x1C400] =	vst v63  }
0x1fc: {  	_ =	swait.ge [sflag:s25], $0x7000  }
0x1fd: {  	[sflag:s25] =	ssyncset.done $0x0  }
0x1fe: {  	[sflag:s25] =	ssyncadd.s32 $0xFFFF9000  }
0x1ff: {  	_ =	swait.ge [sflag:s25], $0x1000  }
0x200: {  	[sflag:s25] =	ssyncset.done $0x0  }
0x201: {  	s19 =	rddreg [dreg:$0x12];
	[sflag:s25] =	ssyncadd.s32 $0xFFFFF000  }
0x202: {  	[hbm4b:s19+s13] =	stream.strided.scatter [tilespmem:s28], [sflag:$0x4], $0x7000, s14, s13, $0x38;
	[tilespmem:$0x1C400] =	vst v63  }
0x203: {  	s9 =	rddreg [dreg:$0x13]  }
0x204: {  	[hbm4b:s9+s2] =	stream.linear.scatter [tilespmem:s26], [sflag:$0x4], $0x1000, $0x38;
	[tilespmem:$0x1C400] =	vst v63  }
0x205: {  	_ =	swait.ge [sflag:s0], $0x7000  }
0x206: {  	[sflag:s0] =	ssyncset.done $0x0  }
0x207: {  	[sflag:s0] =	ssyncadd.s32 $0xFFFF9000  }
0x208: {  	_ =	swait.ge [sflag:s0], $0x1000  }
0x209: {  	[sflag:s0] =	ssyncset.done $0x0  }
0x20a: {  	s17 =	rddreg [dreg:$0x14];
	[sflag:s0] =	ssyncadd.s32 $0xFFFFF000  }
0x20b: {  	[hbm4b:s17+s13] =	stream.strided.scatter [tilespmem:s10], [sflag:$0x5], $0x7000, s14, s13, $0x38;
	[tilespmem:$0x1C400] =	vst v63  }
0x20c: {  	s19 =	rddreg [dreg:$0x15]  }
0x20d: {  	[hbm4b:s19+s2] =	stream.linear.scatter [tilespmem:s18], [sflag:$0x5], $0x1000, $0x38;
	[tilespmem:$0x1C400] =	vst v63  }
0x20e: {  	_ =	swait.ge [sflag:s15], $0x7000  }
0x20f: {  	[sflag:s15] =	ssyncset.done $0x0  }
0x210: {  	[sflag:s15] =	ssyncadd.s32 $0xFFFF9000  }
0x211: {  	_ =	swait.ge [sflag:s15], $0x1000  }
0x212: {  	[sflag:s15] =	ssyncset.done $0x0  }
0x213: {  	[sflag:s15] =	ssyncadd.s32 $0xFFFFF000  }
0x214: {  	_ =	swait.ge [sflag:s1], $0x7000  }
0x215: {  	[sflag:s1] =	ssyncset.done $0x0  }
0x216: {  	[sflag:s1] =	ssyncadd.s32 $0xFFFF9000  }
0x217: {  	_ =	swait.ge [sflag:s1], $0x1000  }
0x218: {  	[sflag:s1] =	ssyncset.done $0x0  }
0x219: {  	[sflag:s1] =	ssyncadd.s32 $0xFFFFF000  }
0x21a: {  	p0 =	sne.s32 s8, $0x1;
	_ =	swait.ge [sflag:s12], $0x7000  }
.Ltmp0:
0x21b: {  	[sflag:s12] =	ssyncset.done $0x0;
	(pc) =	sbr.rel @p0 .LBB2_1-.Ltmp0, $4  }
0x21c: {  	[sflag:s12] =	ssyncadd.s32 $0xFFFF9000  }
0x21d: {  	_ =	swait.ge [sflag:s12], $0x1000  }
0x21e: {  	[sflag:s12] =	ssyncset.done $0x0  }
0x21f: {  	s8 =	sadd.s32 $0xFFFFFFFF, s8;
	[sflag:s12] =	ssyncadd.s32 $0xFFFFF000  }
0x220: {  	_ =	sfence.sel $0x180000  }
0x221: {  	[bflag:$0x0] =	sbarrier.arrive $0xFFFF  }
0x222: {  	_ =	strace $0x90000047  }
0x223: {  	s0 =	stileid.u32;
	[bflag:$0x2] =	sbarrier.arrive $0xFFFF  }
0x224: {  	p0 =	sne.s32 s0, $0x0;
	s0 =	rddreg [dreg:$0x2]  }
0x225: {  	s0 =	sadd.s32 @!p0 $0x100000, s0  }
0x226: {  	[sflag:s0] =	ssyncadd.tile.s32 @!p0 $0x1;
	_ =	shalt  }
.Lfunc_end2:
_tile_overlayer_lowered:
.L_overlay_start_2:
0x227: {  	(tag) =	ssettag $0x2  }
0x228: {  	s0 =	rddreg [dreg:$0x0];
	s2 =	stileid.u32  }
0x229: {  	s1 =	rddreg [dreg:$0x1];
	p0 =	sne.s32 s2, $0x0  }
0x22a: {  	s3 =	rddreg [dreg:$0x2];
	[bflag:$0x3] =	sbarrier.arrive $0xFFFF;
	s2 =	simm.s32 @!p0 $0x1C07  }
0x22b: {  	[timem:s3], [sflag:s2] =	dma.local @!p0 [hbm:s0], s1  }
0x22c: {  	s0 =	simm.s32 @!p0 $0x7  }
0x22d: {  	_ =	swait.ge @!p0 [sflag:s0], s1  }
0x22e: {  	s1 =	ssub.s32 @!p0 $0x0, s1;
	[sflag:s0] =	ssyncset.done @!p0 $0x0  }
0x22f: {  	[sflag:s0] =	ssyncadd.s32 @!p0 s1  }
0x230: {  	[bflag:$0x3] =	sbarrier.arrive $0xFFFF  }
0x231: {  	_ =	shalt  }

</sc_bundles>
